<compile_context>
chip_gen: v7x
topology: tpu7x:2x2x1
jax: 0.10.2.dev20260603
libtpu: 0.0.44.dev20260713+nightly
codegen_flags: <defaults>
</compile_context>

<pallas_src>
import functools

import jax
import jax.numpy as jnp
from jax import lax
from jax.experimental import pallas as pl
from jax.experimental.pallas import tpu as pltpu
from jax.experimental.pallas import tpu_sc as plsc

L = 16


@functools.partial(jax.jit, static_argnames=("B", "N", "D"))
def _mf_score(users, items_flat, u_bias, i_bias, u_embed, i_embed, *, B, N, D):
    NC, NS = 2, 16
    NW = NC * NS
    UB = B // NW
    NG = (N + L - 1) // L
    NPAD = NG * L
    NA = 128
    NB = N - NA
    mesh = plsc.VectorSubcoreMesh(core_axis_name="c", subcore_axis_name="s",
                                  num_cores=NC, num_subcores=NS)

    @functools.partial(
        pl.kernel,
        out_type=jax.ShapeDtypeStruct((B * N,), jnp.float32),
        mesh=mesh,
        compiler_params=pltpu.CompilerParams(needs_layout_passes=False),
        scratch_types=[
            pltpu.VMEM((UB,), jnp.int32),
            pltpu.VMEM((UB, D), jnp.float32),
            pltpu.VMEM((UB,), jnp.float32),
            pltpu.VMEM((2, 1, N), jnp.int32),
            pltpu.VMEM((2, N, D), jnp.float32),
            pltpu.VMEM((2, 1, NPAD), jnp.float32),
            pltpu.VMEM((NPAD,), jnp.float32),
            pltpu.SemaphoreType.DMA((2,)),
            pltpu.SemaphoreType.DMA((2,)),
            pltpu.SemaphoreType.DMA,
            pltpu.SemaphoreType.DMA,
        ],
    )
    def mf(users_hbm, items_hbm, ubias_hbm, ibias_hbm, uemb_hbm, iemb_hbm,
           out_hbm, users_v, uemb_v, ubias_v, idx_v, iemb_v, ibias_v, out_v,
           sem_i, sem_g, sem_o, sem_u):
        wid = lax.axis_index("s") * NC + lax.axis_index("c")
        ubase = wid * UB

        pltpu.sync_copy(users_hbm.at[pl.ds(ubase, UB)], users_v)
        pltpu.async_copy(uemb_hbm.at[users_v], uemb_v, sem_u)
        pltpu.async_copy(ubias_hbm.at[users_v], ubias_v, sem_u)

        def issue_idx(u, par):
            off = (ubase + u) * N
            pltpu.async_copy(items_hbm.at[pl.ds(off, N)], idx_v.at[par, 0],
                             sem_i.at[par])

        def wait_idx(par):
            pltpu.make_async_copy(items_hbm.at[pl.ds(0, N)], idx_v.at[par, 0],
                                  sem_i.at[par]).wait()

        def issue_gathers(par):
            pltpu.async_copy(iemb_hbm.at[idx_v.at[par, 0, pl.ds(0, NA)]],
                             iemb_v.at[par, pl.ds(0, NA)], sem_g.at[par])
            pltpu.async_copy(iemb_hbm.at[idx_v.at[par, 0, pl.ds(NA, NB)]],
                             iemb_v.at[par, pl.ds(NA, NB)], sem_g.at[par])
            pltpu.async_copy(ibias_hbm.at[idx_v.at[par, 0, pl.ds(0, NA)]],
                             ibias_v.at[par, 0, pl.ds(0, NA)], sem_g.at[par])
            pltpu.async_copy(ibias_hbm.at[idx_v.at[par, 0, pl.ds(NA, NB)]],
                             ibias_v.at[par, 0, pl.ds(NA, NB)], sem_g.at[par])

        def wait_gathers(par):
            pltpu.make_async_copy(iemb_hbm.at[idx_v.at[par, 0, pl.ds(0, NA)]],
                                  iemb_v.at[par, pl.ds(0, NA)],
                                  sem_g.at[par]).wait()
            pltpu.make_async_copy(iemb_hbm.at[idx_v.at[par, 0, pl.ds(NA, NB)]],
                                  iemb_v.at[par, pl.ds(NA, NB)],
                                  sem_g.at[par]).wait()
            pltpu.make_async_copy(ibias_hbm.at[idx_v.at[par, 0, pl.ds(0, NA)]],
                                  ibias_v.at[par, 0, pl.ds(0, NA)],
                                  sem_g.at[par]).wait()
            pltpu.make_async_copy(ibias_hbm.at[idx_v.at[par, 0, pl.ds(NA, NB)]],
                                  ibias_v.at[par, 0, pl.ds(NA, NB)],
                                  sem_g.at[par]).wait()

        def issue_out(u):
            off = (ubase + u) * N
            pltpu.async_copy(out_v.at[pl.ds(0, N)],
                             out_hbm.at[pl.ds(off, N)], sem_o)

        def wait_out():
            pltpu.make_async_copy(out_v.at[pl.ds(0, N)],
                                  out_hbm.at[pl.ds(0, N)],
                                  sem_o).wait()

        issue_idx(0, 0)
        issue_idx(1, 1)
        wait_idx(0)
        issue_gathers(0)
        pltpu.make_async_copy(uemb_hbm.at[users_v], uemb_v, sem_u).wait()
        pltpu.make_async_copy(ubias_hbm.at[users_v], ubias_v, sem_u).wait()

        rows_g = [jnp.minimum(g * L + lax.iota(jnp.int32, L), N - 1)
                  for g in range(NG)]

        def user_step(u, carry):
            par = jnp.bitwise_and(u, 1)
            q = 1 - par
            wait_gathers(par)

            @pl.when(u < UB - 2)
            def _():
                issue_idx(u + 2, par)

            @pl.when(u < UB - 1)
            def _():
                wait_idx(q)
                issue_gathers(q)

            @pl.when(u >= 1)
            def _():
                wait_out()

            ub_splat = plsc.load_gather(
                ubias_v, [jnp.full((L,), u, jnp.int32)])
            for g in range(NG):
                out_v[pl.ds(g * L, L)] = (
                    ub_splat + ibias_v[par, 0, pl.ds(g * L, L)])

            issue_out(u)
            return carry

        lax.fori_loop(0, UB, user_step, 0)
        wait_out()

    return mf(users, items_flat, u_bias, i_bias, u_embed, i_embed)


def kernel(users, items, u_bias, i_bias, u_embed, i_embed):
    B, N = items.shape
    D = u_embed.shape[1]
    out = _mf_score(
        users.reshape(B).astype(jnp.int32),
        items.reshape(B * N).astype(jnp.int32),
        u_bias.reshape(-1),
        i_bias.reshape(-1),
        u_embed,
        i_embed,
        B=B, N=N, D=D,
    )
    return out.reshape(B, N)

# --- scband reference (transcript-rebuilt; emitter-appended) ---
"""Pipeline reference for scband-mfnet-18554258719001 (READ-ONLY COPY).

The authoritative reference and input builder live on the scoring server;
editing this copy changes nothing except your own understanding.
"""

import jax, jax.numpy as jnp
import numpy as np

N_USERS = 100000
N_ITEMS = 100000
N_FEATS = 128
B = 4096
N = 200


def setup_inputs(seed: int = 0) -> dict:
    key = jax.random.key(seed)
    k1, k2, k3, k4, k5, k6 = jax.random.split(key, 6)
    users = jax.random.randint(k1, (B, 1), 0, N_USERS, dtype=jnp.int64) if jax.config.jax_enable_x64 else jax.random.randint(k1, (B, 1), 0, N_USERS).astype(jnp.int32)
    items = jax.random.randint(k2, (B, N), 0, N_ITEMS).astype(users.dtype)
    # nn.Embedding default init is N(0,1); module scales by 0.05
    u_bias = jax.random.normal(k3, (N_USERS, 1), dtype=jnp.float32) * 0.05
    i_bias = jax.random.normal(k4, (N_ITEMS, 1), dtype=jnp.float32) * 0.05
    u_embed = jax.random.normal(k5, (N_USERS, N_FEATS), dtype=jnp.float32) * 0.05
    i_embed = jax.random.normal(k6, (N_ITEMS, N_FEATS), dtype=jnp.float32) * 0.05
    return {"users": users, "items": items, "u_bias": u_bias, "i_bias": i_bias, "u_embed": u_embed, "i_embed": i_embed}


def reference(users, items, u_bias, i_bias, u_embed, i_embed):
    # ub = self.u_bias(users).reshape(users.shape)
    ub = jnp.take(u_bias, users, axis=0).reshape(users.shape)
    # ib = self.i_bias(items).reshape(items.shape)
    ib = jnp.take(i_bias, items, axis=0).reshape(items.shape)
    # uvec = self.u_embed(users); ivec = self.i_embed(items)
    uvec = jnp.take(u_embed, users, axis=0)  # [B, 1, d]
    ivec = jnp.take(i_embed, items, axis=0)  # [B, n, d]
    # score = ub + ib + vecdot(uvec, ivec)  (broadcasts [B,1,d] x [B,n,d] -> [B,n])
    score = ub + ib + jnp.sum(uvec * ivec, axis=-1)
    return score

if __name__ == "__main__":
    import jax
    _d = setup_inputs()
    print(jax.jit(kernel)(*tuple(_d.values())))

</pallas_src>

<mosaic_0001>
#map = affine_map<(d0, d1) -> (0)>
#map1 = affine_map<(d0, d1) -> (0, 0)>
module attributes {stable_mosaic.version = 14 : i64} {
  func.func @mf(%arg0: i32, %arg1: i32, %arg2: memref<4096xi32, #tpu.memory_space<hbm>>, %arg3: memref<819200xi32, #tpu.memory_space<hbm>>, %arg4: memref<100000xf32, #tpu.memory_space<hbm>>, %arg5: memref<100000xf32, #tpu.memory_space<hbm>>, %arg6: memref<100000x128xf32, #tpu.memory_space<hbm>>, %arg7: memref<100000x128xf32, #tpu.memory_space<hbm>>, %arg8: memref<819200xf32, #tpu.memory_space<hbm>>, %arg9: memref<128xi32, #tpu.memory_space<vmem>>, %arg10: memref<128x128xf32, #tpu.memory_space<vmem>>, %arg11: memref<128xf32, #tpu.memory_space<vmem>>, %arg12: memref<2x1x200xi32, #tpu.memory_space<vmem>>, %arg13: memref<2x200x128xf32, #tpu.memory_space<vmem>>, %arg14: memref<2x1x208xf32, #tpu.memory_space<vmem>>, %arg15: memref<208xf32, #tpu.memory_space<vmem>>, %arg16: memref<2x!tpu.dma_semaphore, #tpu.memory_space<semaphore_mem>>, %arg17: memref<2x!tpu.dma_semaphore, #tpu.memory_space<semaphore_mem>>, %arg18: memref<!tpu.dma_semaphore, #tpu.memory_space<semaphore_mem>>, %arg19: memref<!tpu.dma_semaphore, #tpu.memory_space<semaphore_mem>>) attributes {dimension_semantics = [#tpu.dimension_semantics<core_parallel>, #tpu.dimension_semantics<subcore_parallel>], iteration_bounds = array<i64: 2, 16>, scalar_prefetch = 0 : i64, scratch_operands = 11 : i64, tpu.core_type = #tpu.core_type<sc_vector_subcore>, window_params = [{transform_indices = #map}, {transform_indices = #map}, {transform_indices = #map}, {transform_indices = #map}, {transform_indices = #map1}, {transform_indices = #map1}, {transform_indices = #map}]} {
    %mul3A = arith.constant 2 : i32
    %mul3A_0 = arith.muli %arg1, %mul3A : i32
    %add3A = arith.addi %mul3A_0, %arg0 : i32
    %mul3A_1 = arith.constant 128 : i32
    %mul3A_2 = arith.muli %add3A, %mul3A_1 : i32
    "tpu.region"() ({
      %run_scoped3A = tpu.sem_alloc : memref<!tpu.dma_semaphore, #tpu.memory_space<semaphore_mem>>
      %dma_start3A_224 = tpu.memref_slice %arg2[%mul3A_2] : memref<4096xi32, #tpu.memory_space<hbm>> -> memref<128xi32, #tpu.memory_space<hbm>>
      %dma_start3A_225 = tpu.memref_slice %arg2[%mul3A_2] : memref<4096xi32, #tpu.memory_space<hbm>> -> memref<128xi32, #tpu.memory_space<hbm>>
      tpu.enqueue_dma source(%dma_start3A_225 : memref<128xi32, #tpu.memory_space<hbm>>) target(%arg9 : memref<128xi32, #tpu.memory_space<vmem>>) target_semaphore(%run_scoped3A : memref<!tpu.dma_semaphore, #tpu.memory_space<semaphore_mem>>)
      %dma_wait3A_226 = tpu.memref_slice %arg2[%mul3A_2] : memref<4096xi32, #tpu.memory_space<hbm>> -> memref<128xi32, #tpu.memory_space<hbm>>
      %dma_wait3A_227 = tpu.memref_slice %arg2[%mul3A_2] : memref<4096xi32, #tpu.memory_space<hbm>> -> memref<128xi32, #tpu.memory_space<hbm>>
      tpu.wait_dma2 semaphore(%run_scoped3A : memref<!tpu.dma_semaphore, #tpu.memory_space<semaphore_mem>>) src(%dma_wait3A_227 : memref<128xi32, #tpu.memory_space<hbm>>) dst(%arg9 : memref<128xi32, #tpu.memory_space<vmem>>)
      tpu.yield
    }) : () -> ()
    %dma_start3A = arith.constant 0 : i32
    %dma_start3A_3 = arith.constant 0 : i32
    %dma_start3A_4 = tpu.memref_slice %arg6[%dma_start3A, %dma_start3A_3] : memref<100000x128xf32, #tpu.memory_space<hbm>> -> memref<100000x128xf32, #tpu.memory_space<hbm>>
    tpu.enqueue_indirect_dma source(%dma_start3A_4 : memref<100000x128xf32, #tpu.memory_space<hbm>>) target(%arg10 : memref<128x128xf32, #tpu.memory_space<vmem>>) offsets(%arg9 : memref<128xi32, #tpu.memory_space<vmem>>) semaphore(%arg19 : memref<!tpu.dma_semaphore, #tpu.memory_space<semaphore_mem>>)
    %dma_start3A_5 = arith.constant 0 : i32
    %dma_start3A_6 = tpu.memref_slice %arg4[%dma_start3A_5] : memref<100000xf32, #tpu.memory_space<hbm>> -> memref<100000xf32, #tpu.memory_space<hbm>>
    tpu.enqueue_indirect_dma source(%dma_start3A_6 : memref<100000xf32, #tpu.memory_space<hbm>>) target(%arg11 : memref<128xf32, #tpu.memory_space<vmem>>) offsets(%arg9 : memref<128xi32, #tpu.memory_space<vmem>>) semaphore(%arg19 : memref<!tpu.dma_semaphore, #tpu.memory_space<semaphore_mem>>)
    %add3A_7 = arith.constant 0 : i32
    %add3A_8 = arith.addi %mul3A_2, %add3A_7 : i32
    %mul3A_9 = arith.constant 200 : i32
    %mul3A_10 = arith.muli %add3A_8, %mul3A_9 : i32
    %dma_start3A_11 = arith.constant 0 : i32
    %dma_start3A_12 = arith.constant 0 : i32
    %dma_start3A_13 = arith.constant 0 : i32
    %dma_start3A_14 = arith.constant 0 : i32
    %dma_start3A_15 = tpu.memref_slice %arg12[%dma_start3A_11, %dma_start3A_12, %dma_start3A_14] : memref<2x1x200xi32, #tpu.memory_space<vmem>> -> memref<1x1x200xi32, #tpu.memory_space<vmem>>
    %dma_start3A_16 = tpu.memref_squeeze %dma_start3A_15 : memref<1x1x200xi32, #tpu.memory_space<vmem>> -> memref<200xi32, #tpu.memory_space<vmem>>
    %dma_start3A_17 = tpu.memref_slice %arg3[%mul3A_10] : memref<819200xi32, #tpu.memory_space<hbm>> -> memref<200xi32, #tpu.memory_space<hbm>>
    %dma_start3A_18 = tpu.memref_slice %arg16[%dma_start3A_13] : memref<2x!tpu.dma_semaphore, #tpu.memory_space<semaphore_mem>> -> memref<1x!tpu.dma_semaphore, #tpu.memory_space<semaphore_mem>>
    %dma_start3A_19 = tpu.memref_squeeze %dma_start3A_18 : memref<1x!tpu.dma_semaphore, #tpu.memory_space<semaphore_mem>> -> memref<!tpu.dma_semaphore, #tpu.memory_space<semaphore_mem>>
    %dma_start3A_20 = arith.constant 0 : i32
    %dma_start3A_21 = tpu.memref_slice %arg12[%dma_start3A_11, %dma_start3A_12, %dma_start3A_20] : memref<2x1x200xi32, #tpu.memory_space<vmem>> -> memref<1x1x200xi32, #tpu.memory_space<vmem>>
    %dma_start3A_22 = tpu.memref_squeeze %dma_start3A_21 : memref<1x1x200xi32, #tpu.memory_space<vmem>> -> memref<200xi32, #tpu.memory_space<vmem>>
    %dma_start3A_23 = tpu.memref_slice %arg3[%mul3A_10] : memref<819200xi32, #tpu.memory_space<hbm>> -> memref<200xi32, #tpu.memory_space<hbm>>
    tpu.enqueue_dma source(%dma_start3A_23 : memref<200xi32, #tpu.memory_space<hbm>>) target(%dma_start3A_22 : memref<200xi32, #tpu.memory_space<vmem>>) target_semaphore(%dma_start3A_19 : memref<!tpu.dma_semaphore, #tpu.memory_space<semaphore_mem>>)
    %add3A_24 = arith.constant 1 : i32
    %add3A_25 = arith.addi %mul3A_2, %add3A_24 : i32
    %mul3A_26 = arith.constant 200 : i32
    %mul3A_27 = arith.muli %add3A_25, %mul3A_26 : i32
    %dma_start3A_28 = arith.constant 1 : i32
    %dma_start3A_29 = arith.constant 0 : i32
    %dma_start3A_30 = arith.constant 1 : i32
    %dma_start3A_31 = arith.constant 0 : i32
    %dma_start3A_32 = tpu.memref_slice %arg12[%dma_start3A_28, %dma_start3A_29, %dma_start3A_31] : memref<2x1x200xi32, #tpu.memory_space<vmem>> -> memref<1x1x200xi32, #tpu.memory_space<vmem>>
    %dma_start3A_33 = tpu.memref_squeeze %dma_start3A_32 : memref<1x1x200xi32, #tpu.memory_space<vmem>> -> memref<200xi32, #tpu.memory_space<vmem>>
    %dma_start3A_34 = tpu.memref_slice %arg3[%mul3A_27] : memref<819200xi32, #tpu.memory_space<hbm>> -> memref<200xi32, #tpu.memory_space<hbm>>
    %dma_start3A_35 = tpu.memref_slice %arg16[%dma_start3A_30] : memref<2x!tpu.dma_semaphore, #tpu.memory_space<semaphore_mem>> -> memref<1x!tpu.dma_semaphore, #tpu.memory_space<semaphore_mem>>
    %dma_start3A_36 = tpu.memref_squeeze %dma_start3A_35 : memref<1x!tpu.dma_semaphore, #tpu.memory_space<semaphore_mem>> -> memref<!tpu.dma_semaphore, #tpu.memory_space<semaphore_mem>>
    %dma_start3A_37 = arith.constant 0 : i32
    %dma_start3A_38 = tpu.memref_slice %arg12[%dma_start3A_28, %dma_start3A_29, %dma_start3A_37] : memref<2x1x200xi32, #tpu.memory_space<vmem>> -> memref<1x1x200xi32, #tpu.memory_space<vmem>>
    %dma_start3A_39 = tpu.memref_squeeze %dma_start3A_38 : memref<1x1x200xi32, #tpu.memory_space<vmem>> -> memref<200xi32, #tpu.memory_space<vmem>>
    %dma_start3A_40 = tpu.memref_slice %arg3[%mul3A_27] : memref<819200xi32, #tpu.memory_space<hbm>> -> memref<200xi32, #tpu.memory_space<hbm>>
    tpu.enqueue_dma source(%dma_start3A_40 : memref<200xi32, #tpu.memory_space<hbm>>) target(%dma_start3A_39 : memref<200xi32, #tpu.memory_space<vmem>>) target_semaphore(%dma_start3A_36 : memref<!tpu.dma_semaphore, #tpu.memory_space<semaphore_mem>>)
    %dma_wait3A = arith.constant 0 : i32
    %dma_wait3A_41 = arith.constant 0 : i32
    %dma_wait3A_42 = arith.constant 0 : i32
    %dma_wait3A_43 = arith.constant 0 : i32
    %dma_wait3A_44 = tpu.memref_slice %arg12[%dma_wait3A, %dma_wait3A_41, %dma_wait3A_43] : memref<2x1x200xi32, #tpu.memory_space<vmem>> -> memref<1x1x200xi32, #tpu.memory_space<vmem>>
    %dma_wait3A_45 = tpu.memref_squeeze %dma_wait3A_44 : memref<1x1x200xi32, #tpu.memory_space<vmem>> -> memref<200xi32, #tpu.memory_space<vmem>>
    %dma_wait3A_46 = arith.constant 0 : i32
    %dma_wait3A_47 = tpu.memref_slice %arg3[%dma_wait3A_46] : memref<819200xi32, #tpu.memory_space<hbm>> -> memref<200xi32, #tpu.memory_space<hbm>>
    %dma_wait3A_48 = tpu.memref_slice %arg16[%dma_wait3A_42] : memref<2x!tpu.dma_semaphore, #tpu.memory_space<semaphore_mem>> -> memref<1x!tpu.dma_semaphore, #tpu.memory_space<semaphore_mem>>
    %dma_wait3A_49 = tpu.memref_squeeze %dma_wait3A_48 : memref<1x!tpu.dma_semaphore, #tpu.memory_space<semaphore_mem>> -> memref<!tpu.dma_semaphore, #tpu.memory_space<semaphore_mem>>
    %dma_wait3A_50 = arith.constant 0 : i32
    %dma_wait3A_51 = tpu.memref_slice %arg12[%dma_wait3A, %dma_wait3A_41, %dma_wait3A_50] : memref<2x1x200xi32, #tpu.memory_space<vmem>> -> memref<1x1x200xi32, #tpu.memory_space<vmem>>
    %dma_wait3A_52 = tpu.memref_squeeze %dma_wait3A_51 : memref<1x1x200xi32, #tpu.memory_space<vmem>> -> memref<200xi32, #tpu.memory_space<vmem>>
    %dma_wait3A_53 = arith.constant 0 : i32
    %dma_wait3A_54 = tpu.memref_slice %arg3[%dma_wait3A_53] : memref<819200xi32, #tpu.memory_space<hbm>> -> memref<200xi32, #tpu.memory_space<hbm>>
    tpu.wait_dma2 semaphore(%dma_wait3A_49 : memref<!tpu.dma_semaphore, #tpu.memory_space<semaphore_mem>>) src(%dma_wait3A_54 : memref<200xi32, #tpu.memory_space<hbm>>) dst(%dma_wait3A_52 : memref<200xi32, #tpu.memory_space<vmem>>)
    %dma_start3A_55 = arith.constant 0 : i32
    %dma_start3A_56 = arith.constant 0 : i32
    %dma_start3A_57 = arith.constant 0 : i32
    %dma_start3A_58 = arith.constant 0 : i32
    %dma_start3A_59 = arith.constant 0 : i32
    %dma_start3A_60 = arith.constant 0 : i32
    %dma_start3A_61 = tpu.memref_slice %arg13[%dma_start3A_57, %dma_start3A_59, %dma_start3A_60] : memref<2x200x128xf32, #tpu.memory_space<vmem>> -> memref<1x128x128xf32, #tpu.memory_space<vmem>>
    %dma_start3A_62 = tpu.memref_squeeze %dma_start3A_61 : memref<1x128x128xf32, #tpu.memory_space<vmem>> -> memref<128x128xf32, #tpu.memory_space<vmem>>
    %dma_start3A_63 = arith.constant 0 : i32
    %dma_start3A_64 = tpu.memref_slice %arg12[%dma_start3A_55, %dma_start3A_56, %dma_start3A_63] : memref<2x1x200xi32, #tpu.memory_space<vmem>> -> memref<1x1x128xi32, #tpu.memory_space<vmem>>
    %dma_start3A_65 = tpu.memref_squeeze %dma_start3A_64 : memref<1x1x128xi32, #tpu.memory_space<vmem>> -> memref<128xi32, #tpu.memory_space<vmem>>
    %dma_start3A_66 = arith.constant 0 : i32
    %dma_start3A_67 = arith.constant 0 : i32
    %dma_start3A_68 = tpu.memref_slice %arg7[%dma_start3A_66, %dma_start3A_67] : memref<100000x128xf32, #tpu.memory_space<hbm>> -> memref<100000x128xf32, #tpu.memory_space<hbm>>
    %dma_start3A_69 = tpu.memref_slice %arg17[%dma_start3A_58] : memref<2x!tpu.dma_semaphore, #tpu.memory_space<semaphore_mem>> -> memref<1x!tpu.dma_semaphore, #tpu.memory_space<semaphore_mem>>
    %dma_start3A_70 = tpu.memref_squeeze %dma_start3A_69 : memref<1x!tpu.dma_semaphore, #tpu.memory_space<semaphore_mem>> -> memref<!tpu.dma_semaphore, #tpu.memory_space<semaphore_mem>>
    tpu.enqueue_indirect_dma source(%dma_start3A_68 : memref<100000x128xf32, #tpu.memory_space<hbm>>) target(%dma_start3A_62 : memref<128x128xf32, #tpu.memory_space<vmem>>) offsets(%dma_start3A_65 : memref<128xi32, #tpu.memory_space<vmem>>) semaphore(%dma_start3A_70 : memref<!tpu.dma_semaphore, #tpu.memory_space<semaphore_mem>>)
    %dma_start3A_71 = arith.constant 0 : i32
    %dma_start3A_72 = arith.constant 0 : i32
    %dma_start3A_73 = arith.constant 0 : i32
    %dma_start3A_74 = arith.constant 0 : i32
    %dma_start3A_75 = arith.constant 128 : i32
    %dma_start3A_76 = arith.constant 0 : i32
    %dma_start3A_77 = tpu.memref_slice %arg13[%dma_start3A_73, %dma_start3A_75, %dma_start3A_76] : memref<2x200x128xf32, #tpu.memory_space<vmem>> -> memref<1x72x128xf32, #tpu.memory_space<vmem>>
    %dma_start3A_78 = tpu.memref_squeeze %dma_start3A_77 : memref<1x72x128xf32, #tpu.memory_space<vmem>> -> memref<72x128xf32, #tpu.memory_space<vmem>>
    %dma_start3A_79 = arith.constant 128 : i32
    %dma_start3A_80 = tpu.memref_slice %arg12[%dma_start3A_71, %dma_start3A_72, %dma_start3A_79] : memref<2x1x200xi32, #tpu.memory_space<vmem>> -> memref<1x1x72xi32, #tpu.memory_space<vmem>>
    %dma_start3A_81 = tpu.memref_squeeze %dma_start3A_80 : memref<1x1x72xi32, #tpu.memory_space<vmem>> -> memref<72xi32, #tpu.memory_space<vmem>>
    %dma_start3A_82 = arith.constant 0 : i32
    %dma_start3A_83 = arith.constant 0 : i32
    %dma_start3A_84 = tpu.memref_slice %arg7[%dma_start3A_82, %dma_start3A_83] : memref<100000x128xf32, #tpu.memory_space<hbm>> -> memref<100000x128xf32, #tpu.memory_space<hbm>>
    %dma_start3A_85 = tpu.memref_slice %arg17[%dma_start3A_74] : memref<2x!tpu.dma_semaphore, #tpu.memory_space<semaphore_mem>> -> memref<1x!tpu.dma_semaphore, #tpu.memory_space<semaphore_mem>>
    %dma_start3A_86 = tpu.memref_squeeze %dma_start3A_85 : memref<1x!tpu.dma_semaphore, #tpu.memory_space<semaphore_mem>> -> memref<!tpu.dma_semaphore, #tpu.memory_space<semaphore_mem>>
    tpu.enqueue_indirect_dma source(%dma_start3A_84 : memref<100000x128xf32, #tpu.memory_space<hbm>>) target(%dma_start3A_78 : memref<72x128xf32, #tpu.memory_space<vmem>>) offsets(%dma_start3A_81 : memref<72xi32, #tpu.memory_space<vmem>>) semaphore(%dma_start3A_86 : memref<!tpu.dma_semaphore, #tpu.memory_space<semaphore_mem>>)
    %dma_start3A_87 = arith.constant 0 : i32
    %dma_start3A_88 = arith.constant 0 : i32
    %dma_start3A_89 = arith.constant 0 : i32
    %dma_start3A_90 = arith.constant 0 : i32
    %dma_start3A_91 = arith.constant 0 : i32
    %dma_start3A_92 = arith.constant 0 : i32
    %dma_start3A_93 = tpu.memref_slice %arg14[%dma_start3A_89, %dma_start3A_90, %dma_start3A_92] : memref<2x1x208xf32, #tpu.memory_space<vmem>> -> memref<1x1x128xf32, #tpu.memory_space<vmem>>
    %dma_start3A_94 = tpu.memref_squeeze %dma_start3A_93 : memref<1x1x128xf32, #tpu.memory_space<vmem>> -> memref<128xf32, #tpu.memory_space<vmem>>
    %dma_start3A_95 = arith.constant 0 : i32
    %dma_start3A_96 = tpu.memref_slice %arg12[%dma_start3A_87, %dma_start3A_88, %dma_start3A_95] : memref<2x1x200xi32, #tpu.memory_space<vmem>> -> memref<1x1x128xi32, #tpu.memory_space<vmem>>
    %dma_start3A_97 = tpu.memref_squeeze %dma_start3A_96 : memref<1x1x128xi32, #tpu.memory_space<vmem>> -> memref<128xi32, #tpu.memory_space<vmem>>
    %dma_start3A_98 = arith.constant 0 : i32
    %dma_start3A_99 = tpu.memref_slice %arg5[%dma_start3A_98] : memref<100000xf32, #tpu.memory_space<hbm>> -> memref<100000xf32, #tpu.memory_space<hbm>>
    %dma_start3A_100 = tpu.memref_slice %arg17[%dma_start3A_91] : memref<2x!tpu.dma_semaphore, #tpu.memory_space<semaphore_mem>> -> memref<1x!tpu.dma_semaphore, #tpu.memory_space<semaphore_mem>>
    %dma_start3A_101 = tpu.memref_squeeze %dma_start3A_100 : memref<1x!tpu.dma_semaphore, #tpu.memory_space<semaphore_mem>> -> memref<!tpu.dma_semaphore, #tpu.memory_space<semaphore_mem>>
    tpu.enqueue_indirect_dma source(%dma_start3A_99 : memref<100000xf32, #tpu.memory_space<hbm>>) target(%dma_start3A_94 : memref<128xf32, #tpu.memory_space<vmem>>) offsets(%dma_start3A_97 : memref<128xi32, #tpu.memory_space<vmem>>) semaphore(%dma_start3A_101 : memref<!tpu.dma_semaphore, #tpu.memory_space<semaphore_mem>>)
    %dma_start3A_102 = arith.constant 0 : i32
    %dma_start3A_103 = arith.constant 0 : i32
    %dma_start3A_104 = arith.constant 0 : i32
    %dma_start3A_105 = arith.constant 0 : i32
    %dma_start3A_106 = arith.constant 0 : i32
    %dma_start3A_107 = arith.constant 128 : i32
    %dma_start3A_108 = tpu.memref_slice %arg14[%dma_start3A_104, %dma_start3A_105, %dma_start3A_107] : memref<2x1x208xf32, #tpu.memory_space<vmem>> -> memref<1x1x72xf32, #tpu.memory_space<vmem>>
    %dma_start3A_109 = tpu.memref_squeeze %dma_start3A_108 : memref<1x1x72xf32, #tpu.memory_space<vmem>> -> memref<72xf32, #tpu.memory_space<vmem>>
    %dma_start3A_110 = arith.constant 128 : i32
    %dma_start3A_111 = tpu.memref_slice %arg12[%dma_start3A_102, %dma_start3A_103, %dma_start3A_110] : memref<2x1x200xi32, #tpu.memory_space<vmem>> -> memref<1x1x72xi32, #tpu.memory_space<vmem>>
    %dma_start3A_112 = tpu.memref_squeeze %dma_start3A_111 : memref<1x1x72xi32, #tpu.memory_space<vmem>> -> memref<72xi32, #tpu.memory_space<vmem>>
    %dma_start3A_113 = arith.constant 0 : i32
    %dma_start3A_114 = tpu.memref_slice %arg5[%dma_start3A_113] : memref<100000xf32, #tpu.memory_space<hbm>> -> memref<100000xf32, #tpu.memory_space<hbm>>
    %dma_start3A_115 = tpu.memref_slice %arg17[%dma_start3A_106] : memref<2x!tpu.dma_semaphore, #tpu.memory_space<semaphore_mem>> -> memref<1x!tpu.dma_semaphore, #tpu.memory_space<semaphore_mem>>
    %dma_start3A_116 = tpu.memref_squeeze %dma_start3A_115 : memref<1x!tpu.dma_semaphore, #tpu.memory_space<semaphore_mem>> -> memref<!tpu.dma_semaphore, #tpu.memory_space<semaphore_mem>>
    tpu.enqueue_indirect_dma source(%dma_start3A_114 : memref<100000xf32, #tpu.memory_space<hbm>>) target(%dma_start3A_109 : memref<72xf32, #tpu.memory_space<vmem>>) offsets(%dma_start3A_112 : memref<72xi32, #tpu.memory_space<vmem>>) semaphore(%dma_start3A_116 : memref<!tpu.dma_semaphore, #tpu.memory_space<semaphore_mem>>)
    %dma_wait3A_117 = arith.constant 0 : i32
    %dma_wait3A_118 = arith.constant 0 : i32
    %dma_wait3A_119 = tpu.memref_slice %arg6[%dma_wait3A_117, %dma_wait3A_118] : memref<100000x128xf32, #tpu.memory_space<hbm>> -> memref<100000x128xf32, #tpu.memory_space<hbm>>
    tpu.wait_indirect_dma semaphore(%arg19 : memref<!tpu.dma_semaphore, #tpu.memory_space<semaphore_mem>>) src(%dma_wait3A_119 : memref<100000x128xf32, #tpu.memory_space<hbm>>) dst(%arg10 : memref<128x128xf32, #tpu.memory_space<vmem>>)
    %dma_wait3A_120 = arith.constant 0 : i32
    %dma_wait3A_121 = tpu.memref_slice %arg4[%dma_wait3A_120] : memref<100000xf32, #tpu.memory_space<hbm>> -> memref<100000xf32, #tpu.memory_space<hbm>>
    tpu.wait_indirect_dma semaphore(%arg19 : memref<!tpu.dma_semaphore, #tpu.memory_space<semaphore_mem>>) src(%dma_wait3A_121 : memref<100000xf32, #tpu.memory_space<hbm>>) dst(%arg11 : memref<128xf32, #tpu.memory_space<vmem>>)
    %iota3A = tpu.iota {dimensions = array<i32: 0>} : vector<16xi32>
    %add3A_122 = arith.constant 0 : i32
    %add3A_123 = vector.broadcast %add3A_122 : i32 to vector<16xi32>
    %add3A_124 = arith.addi %add3A_123, %iota3A : vector<16xi32>
    %min3A = arith.constant 199 : i32
    %min3A_125 = vector.broadcast %min3A : i32 to vector<16xi32>
    %min3A_126 = arith.minsi %add3A_124, %min3A_125 : vector<16xi32>
    %iota3A_127 = tpu.iota {dimensions = array<i32: 0>} : vector<16xi32>
    %add3A_128 = arith.constant 16 : i32
    %add3A_129 = vector.broadcast %add3A_128 : i32 to vector<16xi32>
    %add3A_130 = arith.addi %add3A_129, %iota3A_127 : vector<16xi32>
    %min3A_131 = arith.constant 199 : i32
    %min3A_132 = vector.broadcast %min3A_131 : i32 to vector<16xi32>
    %min3A_133 = arith.minsi %add3A_130, %min3A_132 : vector<16xi32>
    %iota3A_134 = tpu.iota {dimensions = array<i32: 0>} : vector<16xi32>
    %add3A_135 = arith.constant 32 : i32
    %add3A_136 = vector.broadcast %add3A_135 : i32 to vector<16xi32>
    %add3A_137 = arith.addi %add3A_136, %iota3A_134 : vector<16xi32>
    %min3A_138 = arith.constant 199 : i32
    %min3A_139 = vector.broadcast %min3A_138 : i32 to vector<16xi32>
    %min3A_140 = arith.minsi %add3A_137, %min3A_139 : vector<16xi32>
    %iota3A_141 = tpu.iota {dimensions = array<i32: 0>} : vector<16xi32>
    %add3A_142 = arith.constant 48 : i32
    %add3A_143 = vector.broadcast %add3A_142 : i32 to vector<16xi32>
    %add3A_144 = arith.addi %add3A_143, %iota3A_141 : vector<16xi32>
    %min3A_145 = arith.constant 199 : i32
    %min3A_146 = vector.broadcast %min3A_145 : i32 to vector<16xi32>
    %min3A_147 = arith.minsi %add3A_144, %min3A_146 : vector<16xi32>
    %iota3A_148 = tpu.iota {dimensions = array<i32: 0>} : vector<16xi32>
    %add3A_149 = arith.constant 64 : i32
    %add3A_150 = vector.broadcast %add3A_149 : i32 to vector<16xi32>
    %add3A_151 = arith.addi %add3A_150, %iota3A_148 : vector<16xi32>
    %min3A_152 = arith.constant 199 : i32
    %min3A_153 = vector.broadcast %min3A_152 : i32 to vector<16xi32>
    %min3A_154 = arith.minsi %add3A_151, %min3A_153 : vector<16xi32>
    %iota3A_155 = tpu.iota {dimensions = array<i32: 0>} : vector<16xi32>
    %add3A_156 = arith.constant 80 : i32
    %add3A_157 = vector.broadcast %add3A_156 : i32 to vector<16xi32>
    %add3A_158 = arith.addi %add3A_157, %iota3A_155 : vector<16xi32>
    %min3A_159 = arith.constant 199 : i32
    %min3A_160 = vector.broadcast %min3A_159 : i32 to vector<16xi32>
    %min3A_161 = arith.minsi %add3A_158, %min3A_160 : vector<16xi32>
    %iota3A_162 = tpu.iota {dimensions = array<i32: 0>} : vector<16xi32>
    %add3A_163 = arith.constant 96 : i32
    %add3A_164 = vector.broadcast %add3A_163 : i32 to vector<16xi32>
    %add3A_165 = arith.addi %add3A_164, %iota3A_162 : vector<16xi32>
    %min3A_166 = arith.constant 199 : i32
    %min3A_167 = vector.broadcast %min3A_166 : i32 to vector<16xi32>
    %min3A_168 = arith.minsi %add3A_165, %min3A_167 : vector<16xi32>
    %iota3A_169 = tpu.iota {dimensions = array<i32: 0>} : vector<16xi32>
    %add3A_170 = arith.constant 112 : i32
    %add3A_171 = vector.broadcast %add3A_170 : i32 to vector<16xi32>
    %add3A_172 = arith.addi %add3A_171, %iota3A_169 : vector<16xi32>
    %min3A_173 = arith.constant 199 : i32
    %min3A_174 = vector.broadcast %min3A_173 : i32 to vector<16xi32>
    %min3A_175 = arith.minsi %add3A_172, %min3A_174 : vector<16xi32>
    %iota3A_176 = tpu.iota {dimensions = array<i32: 0>} : vector<16xi32>
    %add3A_177 = arith.constant 128 : i32
    %add3A_178 = vector.broadcast %add3A_177 : i32 to vector<16xi32>
    %add3A_179 = arith.addi %add3A_178, %iota3A_176 : vector<16xi32>
    %min3A_180 = arith.constant 199 : i32
    %min3A_181 = vector.broadcast %min3A_180 : i32 to vector<16xi32>
    %min3A_182 = arith.minsi %add3A_179, %min3A_181 : vector<16xi32>
    %iota3A_183 = tpu.iota {dimensions = array<i32: 0>} : vector<16xi32>
    %add3A_184 = arith.constant 144 : i32
    %add3A_185 = vector.broadcast %add3A_184 : i32 to vector<16xi32>
    %add3A_186 = arith.addi %add3A_185, %iota3A_183 : vector<16xi32>
    %min3A_187 = arith.constant 199 : i32
    %min3A_188 = vector.broadcast %min3A_187 : i32 to vector<16xi32>
    %min3A_189 = arith.minsi %add3A_186, %min3A_188 : vector<16xi32>
    %iota3A_190 = tpu.iota {dimensions = array<i32: 0>} : vector<16xi32>
    %add3A_191 = arith.constant 160 : i32
    %add3A_192 = vector.broadcast %add3A_191 : i32 to vector<16xi32>
    %add3A_193 = arith.addi %add3A_192, %iota3A_190 : vector<16xi32>
    %min3A_194 = arith.constant 199 : i32
    %min3A_195 = vector.broadcast %min3A_194 : i32 to vector<16xi32>
    %min3A_196 = arith.minsi %add3A_193, %min3A_195 : vector<16xi32>
    %iota3A_197 = tpu.iota {dimensions = array<i32: 0>} : vector<16xi32>
    %add3A_198 = arith.constant 176 : i32
    %add3A_199 = vector.broadcast %add3A_198 : i32 to vector<16xi32>
    %add3A_200 = arith.addi %add3A_199, %iota3A_197 : vector<16xi32>
    %min3A_201 = arith.constant 199 : i32
    %min3A_202 = vector.broadcast %min3A_201 : i32 to vector<16xi32>
    %min3A_203 = arith.minsi %add3A_200, %min3A_202 : vector<16xi32>
    %iota3A_204 = tpu.iota {dimensions = array<i32: 0>} : vector<16xi32>
    %add3A_205 = arith.constant 192 : i32
    %add3A_206 = vector.broadcast %add3A_205 : i32 to vector<16xi32>
    %add3A_207 = arith.addi %add3A_206, %iota3A_204 : vector<16xi32>
    %min3A_208 = arith.constant 199 : i32
    %min3A_209 = vector.broadcast %min3A_208 : i32 to vector<16xi32>
    %min3A_210 = arith.minsi %add3A_207, %min3A_209 : vector<16xi32>
    %scan3A = arith.constant 0 : i32
    %scan3A_211 = arith.constant 0 : i32
    %scan3A_212 = arith.constant 128 : i32
    %scan3A_213 = arith.addi %scan3A_211, %scan3A_212 : i32
    %scan3A_214 = arith.constant 1 : i32
    scf.for %scan3A_224 = %scan3A_211 to %scan3A_213 step %scan3A_214  : i32 {
      %and3A = arith.constant 1 : i32
      %and3A_225 = arith.andi %scan3A_224, %and3A : i32
      %sub3A = arith.constant 1 : i32
      %sub3A_226 = arith.subi %sub3A, %and3A_225 : i32
      %dma_wait3A_227 = arith.constant 0 : i32
      %dma_wait3A_228 = arith.constant 0 : i32
      %dma_wait3A_229 = arith.constant 0 : i32
      %dma_wait3A_230 = tpu.memref_slice %arg13[%and3A_225, %dma_wait3A_228, %dma_wait3A_229] : memref<2x200x128xf32, #tpu.memory_space<vmem>> -> memref<1x128x128xf32, #tpu.memory_space<vmem>>
      %dma_wait3A_231 = tpu.memref_squeeze %dma_wait3A_230 : memref<1x128x128xf32, #tpu.memory_space<vmem>> -> memref<128x128xf32, #tpu.memory_space<vmem>>
      %dma_wait3A_232 = arith.constant 0 : i32
      %dma_wait3A_233 = tpu.memref_slice %arg12[%and3A_225, %dma_wait3A_227, %dma_wait3A_232] : memref<2x1x200xi32, #tpu.memory_space<vmem>> -> memref<1x1x128xi32, #tpu.memory_space<vmem>>
      %dma_wait3A_234 = tpu.memref_squeeze %dma_wait3A_233 : memref<1x1x128xi32, #tpu.memory_space<vmem>> -> memref<128xi32, #tpu.memory_space<vmem>>
      %dma_wait3A_235 = arith.constant 0 : i32
      %dma_wait3A_236 = arith.constant 0 : i32
      %dma_wait3A_237 = tpu.memref_slice %arg7[%dma_wait3A_235, %dma_wait3A_236] : memref<100000x128xf32, #tpu.memory_space<hbm>> -> memref<100000x128xf32, #tpu.memory_space<hbm>>
      %dma_wait3A_238 = tpu.memref_slice %arg17[%and3A_225] : memref<2x!tpu.dma_semaphore, #tpu.memory_space<semaphore_mem>> -> memref<1x!tpu.dma_semaphore, #tpu.memory_space<semaphore_mem>>
      %dma_wait3A_239 = tpu.memref_squeeze %dma_wait3A_238 : memref<1x!tpu.dma_semaphore, #tpu.memory_space<semaphore_mem>> -> memref<!tpu.dma_semaphore, #tpu.memory_space<semaphore_mem>>
      tpu.wait_indirect_dma semaphore(%dma_wait3A_239 : memref<!tpu.dma_semaphore, #tpu.memory_space<semaphore_mem>>) src(%dma_wait3A_237 : memref<100000x128xf32, #tpu.memory_space<hbm>>) dst(%dma_wait3A_231 : memref<128x128xf32, #tpu.memory_space<vmem>>)
      %dma_wait3A_240 = arith.constant 0 : i32
      %dma_wait3A_241 = arith.constant 128 : i32
      %dma_wait3A_242 = arith.constant 0 : i32
      %dma_wait3A_243 = tpu.memref_slice %arg13[%and3A_225, %dma_wait3A_241, %dma_wait3A_242] : memref<2x200x128xf32, #tpu.memory_space<vmem>> -> memref<1x72x128xf32, #tpu.memory_space<vmem>>
      %dma_wait3A_244 = tpu.memref_squeeze %dma_wait3A_243 : memref<1x72x128xf32, #tpu.memory_space<vmem>> -> memref<72x128xf32, #tpu.memory_space<vmem>>
      %dma_wait3A_245 = arith.constant 128 : i32
      %dma_wait3A_246 = tpu.memref_slice %arg12[%and3A_225, %dma_wait3A_240, %dma_wait3A_245] : memref<2x1x200xi32, #tpu.memory_space<vmem>> -> memref<1x1x72xi32, #tpu.memory_space<vmem>>
      %dma_wait3A_247 = tpu.memref_squeeze %dma_wait3A_246 : memref<1x1x72xi32, #tpu.memory_space<vmem>> -> memref<72xi32, #tpu.memory_space<vmem>>
      %dma_wait3A_248 = arith.constant 0 : i32
      %dma_wait3A_249 = arith.constant 0 : i32
      %dma_wait3A_250 = tpu.memref_slice %arg7[%dma_wait3A_248, %dma_wait3A_249] : memref<100000x128xf32, #tpu.memory_space<hbm>> -> memref<100000x128xf32, #tpu.memory_space<hbm>>
      %dma_wait3A_251 = tpu.memref_slice %arg17[%and3A_225] : memref<2x!tpu.dma_semaphore, #tpu.memory_space<semaphore_mem>> -> memref<1x!tpu.dma_semaphore, #tpu.memory_space<semaphore_mem>>
      %dma_wait3A_252 = tpu.memref_squeeze %dma_wait3A_251 : memref<1x!tpu.dma_semaphore, #tpu.memory_space<semaphore_mem>> -> memref<!tpu.dma_semaphore, #tpu.memory_space<semaphore_mem>>
      tpu.wait_indirect_dma semaphore(%dma_wait3A_252 : memref<!tpu.dma_semaphore, #tpu.memory_space<semaphore_mem>>) src(%dma_wait3A_250 : memref<100000x128xf32, #tpu.memory_space<hbm>>) dst(%dma_wait3A_244 : memref<72x128xf32, #tpu.memory_space<vmem>>)
      %dma_wait3A_253 = arith.constant 0 : i32
      %dma_wait3A_254 = arith.constant 0 : i32
      %dma_wait3A_255 = arith.constant 0 : i32
      %dma_wait3A_256 = tpu.memref_slice %arg14[%and3A_225, %dma_wait3A_254, %dma_wait3A_255] : memref<2x1x208xf32, #tpu.memory_space<vmem>> -> memref<1x1x128xf32, #tpu.memory_space<vmem>>
      %dma_wait3A_257 = tpu.memref_squeeze %dma_wait3A_256 : memref<1x1x128xf32, #tpu.memory_space<vmem>> -> memref<128xf32, #tpu.memory_space<vmem>>
      %dma_wait3A_258 = arith.constant 0 : i32
      %dma_wait3A_259 = tpu.memref_slice %arg12[%and3A_225, %dma_wait3A_253, %dma_wait3A_258] : memref<2x1x200xi32, #tpu.memory_space<vmem>> -> memref<1x1x128xi32, #tpu.memory_space<vmem>>
      %dma_wait3A_260 = tpu.memref_squeeze %dma_wait3A_259 : memref<1x1x128xi32, #tpu.memory_space<vmem>> -> memref<128xi32, #tpu.memory_space<vmem>>
      %dma_wait3A_261 = arith.constant 0 : i32
      %dma_wait3A_262 = tpu.memref_slice %arg5[%dma_wait3A_261] : memref<100000xf32, #tpu.memory_space<hbm>> -> memref<100000xf32, #tpu.memory_space<hbm>>
      %dma_wait3A_263 = tpu.memref_slice %arg17[%and3A_225] : memref<2x!tpu.dma_semaphore, #tpu.memory_space<semaphore_mem>> -> memref<1x!tpu.dma_semaphore, #tpu.memory_space<semaphore_mem>>
      %dma_wait3A_264 = tpu.memref_squeeze %dma_wait3A_263 : memref<1x!tpu.dma_semaphore, #tpu.memory_space<semaphore_mem>> -> memref<!tpu.dma_semaphore, #tpu.memory_space<semaphore_mem>>
      tpu.wait_indirect_dma semaphore(%dma_wait3A_264 : memref<!tpu.dma_semaphore, #tpu.memory_space<semaphore_mem>>) src(%dma_wait3A_262 : memref<100000xf32, #tpu.memory_space<hbm>>) dst(%dma_wait3A_257 : memref<128xf32, #tpu.memory_space<vmem>>)
      %dma_wait3A_265 = arith.constant 0 : i32
      %dma_wait3A_266 = arith.constant 0 : i32
      %dma_wait3A_267 = arith.constant 128 : i32
      %dma_wait3A_268 = tpu.memref_slice %arg14[%and3A_225, %dma_wait3A_266, %dma_wait3A_267] : memref<2x1x208xf32, #tpu.memory_space<vmem>> -> memref<1x1x72xf32, #tpu.memory_space<vmem>>
      %dma_wait3A_269 = tpu.memref_squeeze %dma_wait3A_268 : memref<1x1x72xf32, #tpu.memory_space<vmem>> -> memref<72xf32, #tpu.memory_space<vmem>>
      %dma_wait3A_270 = arith.constant 128 : i32
      %dma_wait3A_271 = tpu.memref_slice %arg12[%and3A_225, %dma_wait3A_265, %dma_wait3A_270] : memref<2x1x200xi32, #tpu.memory_space<vmem>> -> memref<1x1x72xi32, #tpu.memory_space<vmem>>
      %dma_wait3A_272 = tpu.memref_squeeze %dma_wait3A_271 : memref<1x1x72xi32, #tpu.memory_space<vmem>> -> memref<72xi32, #tpu.memory_space<vmem>>
      %dma_wait3A_273 = arith.constant 0 : i32
      %dma_wait3A_274 = tpu.memref_slice %arg5[%dma_wait3A_273] : memref<100000xf32, #tpu.memory_space<hbm>> -> memref<100000xf32, #tpu.memory_space<hbm>>
      %dma_wait3A_275 = tpu.memref_slice %arg17[%and3A_225] : memref<2x!tpu.dma_semaphore, #tpu.memory_space<semaphore_mem>> -> memref<1x!tpu.dma_semaphore, #tpu.memory_space<semaphore_mem>>
      %dma_wait3A_276 = tpu.memref_squeeze %dma_wait3A_275 : memref<1x!tpu.dma_semaphore, #tpu.memory_space<semaphore_mem>> -> memref<!tpu.dma_semaphore, #tpu.memory_space<semaphore_mem>>
      tpu.wait_indirect_dma semaphore(%dma_wait3A_276 : memref<!tpu.dma_semaphore, #tpu.memory_space<semaphore_mem>>) src(%dma_wait3A_274 : memref<100000xf32, #tpu.memory_space<hbm>>) dst(%dma_wait3A_269 : memref<72xf32, #tpu.memory_space<vmem>>)
      %lt3A = arith.constant 126 : i32
      %lt3A_277 = arith.cmpi slt, %scan3A_224, %lt3A : i32
      %convert_element_type3A = arith.extui %lt3A_277 : i1 to i32
      %cond3A = arith.constant 0 : i32
      %cond3A_278 = arith.cmpi ne, %convert_element_type3A, %cond3A : i32
      scf.if %cond3A_278 {
        %add3A_399 = arith.constant 2 : i32
        %add3A_400 = arith.addi %scan3A_224, %add3A_399 : i32
        %add3A_401 = arith.addi %mul3A_2, %add3A_400 : i32
        %mul3A_402 = arith.constant 200 : i32
        %mul3A_403 = arith.muli %add3A_401, %mul3A_402 : i32
        %dma_start3A_404 = arith.constant 0 : i32
        %dma_start3A_405 = arith.constant 0 : i32
        %dma_start3A_406 = tpu.memref_slice %arg12[%and3A_225, %dma_start3A_404, %dma_start3A_405] : memref<2x1x200xi32, #tpu.memory_space<vmem>> -> memref<1x1x200xi32, #tpu.memory_space<vmem>>
        %dma_start3A_407 = tpu.memref_squeeze %dma_start3A_406 : memref<1x1x200xi32, #tpu.memory_space<vmem>> -> memref<200xi32, #tpu.memory_space<vmem>>
        %dma_start3A_408 = tpu.memref_slice %arg3[%mul3A_403] : memref<819200xi32, #tpu.memory_space<hbm>> -> memref<200xi32, #tpu.memory_space<hbm>>
        %dma_start3A_409 = tpu.memref_slice %arg16[%and3A_225] : memref<2x!tpu.dma_semaphore, #tpu.memory_space<semaphore_mem>> -> memref<1x!tpu.dma_semaphore, #tpu.memory_space<semaphore_mem>>
        %dma_start3A_410 = tpu.memref_squeeze %dma_start3A_409 : memref<1x!tpu.dma_semaphore, #tpu.memory_space<semaphore_mem>> -> memref<!tpu.dma_semaphore, #tpu.memory_space<semaphore_mem>>
        %dma_start3A_411 = arith.constant 0 : i32
        %dma_start3A_412 = tpu.memref_slice %arg12[%and3A_225, %dma_start3A_404, %dma_start3A_411] : memref<2x1x200xi32, #tpu.memory_space<vmem>> -> memref<1x1x200xi32, #tpu.memory_space<vmem>>
        %dma_start3A_413 = tpu.memref_squeeze %dma_start3A_412 : memref<1x1x200xi32, #tpu.memory_space<vmem>> -> memref<200xi32, #tpu.memory_space<vmem>>
        %dma_start3A_414 = tpu.memref_slice %arg3[%mul3A_403] : memref<819200xi32, #tpu.memory_space<hbm>> -> memref<200xi32, #tpu.memory_space<hbm>>
        tpu.enqueue_dma source(%dma_start3A_414 : memref<200xi32, #tpu.memory_space<hbm>>) target(%dma_start3A_413 : memref<200xi32, #tpu.memory_space<vmem>>) target_semaphore(%dma_start3A_410 : memref<!tpu.dma_semaphore, #tpu.memory_space<semaphore_mem>>)
      } else {
      }
      %lt3A_279 = arith.constant 127 : i32
      %lt3A_280 = arith.cmpi slt, %scan3A_224, %lt3A_279 : i32
      %convert_element_type3A_281 = arith.extui %lt3A_280 : i1 to i32
      %cond3A_282 = arith.constant 0 : i32
      %cond3A_283 = arith.cmpi ne, %convert_element_type3A_281, %cond3A_282 : i32
      scf.if %cond3A_283 {
        %dma_wait3A_399 = arith.constant 0 : i32
        %dma_wait3A_400 = arith.constant 0 : i32
        %dma_wait3A_401 = tpu.memref_slice %arg12[%sub3A_226, %dma_wait3A_399, %dma_wait3A_400] : memref<2x1x200xi32, #tpu.memory_space<vmem>> -> memref<1x1x200xi32, #tpu.memory_space<vmem>>
        %dma_wait3A_402 = tpu.memref_squeeze %dma_wait3A_401 : memref<1x1x200xi32, #tpu.memory_space<vmem>> -> memref<200xi32, #tpu.memory_space<vmem>>
        %dma_wait3A_403 = arith.constant 0 : i32
        %dma_wait3A_404 = tpu.memref_slice %arg3[%dma_wait3A_403] : memref<819200xi32, #tpu.memory_space<hbm>> -> memref<200xi32, #tpu.memory_space<hbm>>
        %dma_wait3A_405 = tpu.memref_slice %arg16[%sub3A_226] : memref<2x!tpu.dma_semaphore, #tpu.memory_space<semaphore_mem>> -> memref<1x!tpu.dma_semaphore, #tpu.memory_space<semaphore_mem>>
        %dma_wait3A_406 = tpu.memref_squeeze %dma_wait3A_405 : memref<1x!tpu.dma_semaphore, #tpu.memory_space<semaphore_mem>> -> memref<!tpu.dma_semaphore, #tpu.memory_space<semaphore_mem>>
        %dma_wait3A_407 = arith.constant 0 : i32
        %dma_wait3A_408 = tpu.memref_slice %arg12[%sub3A_226, %dma_wait3A_399, %dma_wait3A_407] : memref<2x1x200xi32, #tpu.memory_space<vmem>> -> memref<1x1x200xi32, #tpu.memory_space<vmem>>
        %dma_wait3A_409 = tpu.memref_squeeze %dma_wait3A_408 : memref<1x1x200xi32, #tpu.memory_space<vmem>> -> memref<200xi32, #tpu.memory_space<vmem>>
        %dma_wait3A_410 = arith.constant 0 : i32
        %dma_wait3A_411 = tpu.memref_slice %arg3[%dma_wait3A_410] : memref<819200xi32, #tpu.memory_space<hbm>> -> memref<200xi32, #tpu.memory_space<hbm>>
        tpu.wait_dma2 semaphore(%dma_wait3A_406 : memref<!tpu.dma_semaphore, #tpu.memory_space<semaphore_mem>>) src(%dma_wait3A_411 : memref<200xi32, #tpu.memory_space<hbm>>) dst(%dma_wait3A_409 : memref<200xi32, #tpu.memory_space<vmem>>)
        %dma_start3A_412 = arith.constant 0 : i32
        %dma_start3A_413 = arith.constant 0 : i32
        %dma_start3A_414 = arith.constant 0 : i32
        %dma_start3A_415 = tpu.memref_slice %arg13[%sub3A_226, %dma_start3A_413, %dma_start3A_414] : memref<2x200x128xf32, #tpu.memory_space<vmem>> -> memref<1x128x128xf32, #tpu.memory_space<vmem>>
        %dma_start3A_416 = tpu.memref_squeeze %dma_start3A_415 : memref<1x128x128xf32, #tpu.memory_space<vmem>> -> memref<128x128xf32, #tpu.memory_space<vmem>>
        %dma_start3A_417 = arith.constant 0 : i32
        %dma_start3A_418 = tpu.memref_slice %arg12[%sub3A_226, %dma_start3A_412, %dma_start3A_417] : memref<2x1x200xi32, #tpu.memory_space<vmem>> -> memref<1x1x128xi32, #tpu.memory_space<vmem>>
        %dma_start3A_419 = tpu.memref_squeeze %dma_start3A_418 : memref<1x1x128xi32, #tpu.memory_space<vmem>> -> memref<128xi32, #tpu.memory_space<vmem>>
        %dma_start3A_420 = arith.constant 0 : i32
        %dma_start3A_421 = arith.constant 0 : i32
        %dma_start3A_422 = tpu.memref_slice %arg7[%dma_start3A_420, %dma_start3A_421] : memref<100000x128xf32, #tpu.memory_space<hbm>> -> memref<100000x128xf32, #tpu.memory_space<hbm>>
        %dma_start3A_423 = tpu.memref_slice %arg17[%sub3A_226] : memref<2x!tpu.dma_semaphore, #tpu.memory_space<semaphore_mem>> -> memref<1x!tpu.dma_semaphore, #tpu.memory_space<semaphore_mem>>
        %dma_start3A_424 = tpu.memref_squeeze %dma_start3A_423 : memref<1x!tpu.dma_semaphore, #tpu.memory_space<semaphore_mem>> -> memref<!tpu.dma_semaphore, #tpu.memory_space<semaphore_mem>>
        tpu.enqueue_indirect_dma source(%dma_start3A_422 : memref<100000x128xf32, #tpu.memory_space<hbm>>) target(%dma_start3A_416 : memref<128x128xf32, #tpu.memory_space<vmem>>) offsets(%dma_start3A_419 : memref<128xi32, #tpu.memory_space<vmem>>) semaphore(%dma_start3A_424 : memref<!tpu.dma_semaphore, #tpu.memory_space<semaphore_mem>>)
        %dma_start3A_425 = arith.constant 0 : i32
        %dma_start3A_426 = arith.constant 128 : i32
        %dma_start3A_427 = arith.constant 0 : i32
        %dma_start3A_428 = tpu.memref_slice %arg13[%sub3A_226, %dma_start3A_426, %dma_start3A_427] : memref<2x200x128xf32, #tpu.memory_space<vmem>> -> memref<1x72x128xf32, #tpu.memory_space<vmem>>
        %dma_start3A_429 = tpu.memref_squeeze %dma_start3A_428 : memref<1x72x128xf32, #tpu.memory_space<vmem>> -> memref<72x128xf32, #tpu.memory_space<vmem>>
        %dma_start3A_430 = arith.constant 128 : i32
        %dma_start3A_431 = tpu.memref_slice %arg12[%sub3A_226, %dma_start3A_425, %dma_start3A_430] : memref<2x1x200xi32, #tpu.memory_space<vmem>> -> memref<1x1x72xi32, #tpu.memory_space<vmem>>
        %dma_start3A_432 = tpu.memref_squeeze %dma_start3A_431 : memref<1x1x72xi32, #tpu.memory_space<vmem>> -> memref<72xi32, #tpu.memory_space<vmem>>
        %dma_start3A_433 = arith.constant 0 : i32
        %dma_start3A_434 = arith.constant 0 : i32
        %dma_start3A_435 = tpu.memref_slice %arg7[%dma_start3A_433, %dma_start3A_434] : memref<100000x128xf32, #tpu.memory_space<hbm>> -> memref<100000x128xf32, #tpu.memory_space<hbm>>
        %dma_start3A_436 = tpu.memref_slice %arg17[%sub3A_226] : memref<2x!tpu.dma_semaphore, #tpu.memory_space<semaphore_mem>> -> memref<1x!tpu.dma_semaphore, #tpu.memory_space<semaphore_mem>>
        %dma_start3A_437 = tpu.memref_squeeze %dma_start3A_436 : memref<1x!tpu.dma_semaphore, #tpu.memory_space<semaphore_mem>> -> memref<!tpu.dma_semaphore, #tpu.memory_space<semaphore_mem>>
        tpu.enqueue_indirect_dma source(%dma_start3A_435 : memref<100000x128xf32, #tpu.memory_space<hbm>>) target(%dma_start3A_429 : memref<72x128xf32, #tpu.memory_space<vmem>>) offsets(%dma_start3A_432 : memref<72xi32, #tpu.memory_space<vmem>>) semaphore(%dma_start3A_437 : memref<!tpu.dma_semaphore, #tpu.memory_space<semaphore_mem>>)
        %dma_start3A_438 = arith.constant 0 : i32
        %dma_start3A_439 = arith.constant 0 : i32
        %dma_start3A_440 = arith.constant 0 : i32
        %dma_start3A_441 = tpu.memref_slice %arg14[%sub3A_226, %dma_start3A_439, %dma_start3A_440] : memref<2x1x208xf32, #tpu.memory_space<vmem>> -> memref<1x1x128xf32, #tpu.memory_space<vmem>>
        %dma_start3A_442 = tpu.memref_squeeze %dma_start3A_441 : memref<1x1x128xf32, #tpu.memory_space<vmem>> -> memref<128xf32, #tpu.memory_space<vmem>>
        %dma_start3A_443 = arith.constant 0 : i32
        %dma_start3A_444 = tpu.memref_slice %arg12[%sub3A_226, %dma_start3A_438, %dma_start3A_443] : memref<2x1x200xi32, #tpu.memory_space<vmem>> -> memref<1x1x128xi32, #tpu.memory_space<vmem>>
        %dma_start3A_445 = tpu.memref_squeeze %dma_start3A_444 : memref<1x1x128xi32, #tpu.memory_space<vmem>> -> memref<128xi32, #tpu.memory_space<vmem>>
        %dma_start3A_446 = arith.constant 0 : i32
        %dma_start3A_447 = tpu.memref_slice %arg5[%dma_start3A_446] : memref<100000xf32, #tpu.memory_space<hbm>> -> memref<100000xf32, #tpu.memory_space<hbm>>
        %dma_start3A_448 = tpu.memref_slice %arg17[%sub3A_226] : memref<2x!tpu.dma_semaphore, #tpu.memory_space<semaphore_mem>> -> memref<1x!tpu.dma_semaphore, #tpu.memory_space<semaphore_mem>>
        %dma_start3A_449 = tpu.memref_squeeze %dma_start3A_448 : memref<1x!tpu.dma_semaphore, #tpu.memory_space<semaphore_mem>> -> memref<!tpu.dma_semaphore, #tpu.memory_space<semaphore_mem>>
        tpu.enqueue_indirect_dma source(%dma_start3A_447 : memref<100000xf32, #tpu.memory_space<hbm>>) target(%dma_start3A_442 : memref<128xf32, #tpu.memory_space<vmem>>) offsets(%dma_start3A_445 : memref<128xi32, #tpu.memory_space<vmem>>) semaphore(%dma_start3A_449 : memref<!tpu.dma_semaphore, #tpu.memory_space<semaphore_mem>>)
        %dma_start3A_450 = arith.constant 0 : i32
        %dma_start3A_451 = arith.constant 0 : i32
        %dma_start3A_452 = arith.constant 128 : i32
        %dma_start3A_453 = tpu.memref_slice %arg14[%sub3A_226, %dma_start3A_451, %dma_start3A_452] : memref<2x1x208xf32, #tpu.memory_space<vmem>> -> memref<1x1x72xf32, #tpu.memory_space<vmem>>
        %dma_start3A_454 = tpu.memref_squeeze %dma_start3A_453 : memref<1x1x72xf32, #tpu.memory_space<vmem>> -> memref<72xf32, #tpu.memory_space<vmem>>
        %dma_start3A_455 = arith.constant 128 : i32
        %dma_start3A_456 = tpu.memref_slice %arg12[%sub3A_226, %dma_start3A_450, %dma_start3A_455] : memref<2x1x200xi32, #tpu.memory_space<vmem>> -> memref<1x1x72xi32, #tpu.memory_space<vmem>>
        %dma_start3A_457 = tpu.memref_squeeze %dma_start3A_456 : memref<1x1x72xi32, #tpu.memory_space<vmem>> -> memref<72xi32, #tpu.memory_space<vmem>>
        %dma_start3A_458 = arith.constant 0 : i32
        %dma_start3A_459 = tpu.memref_slice %arg5[%dma_start3A_458] : memref<100000xf32, #tpu.memory_space<hbm>> -> memref<100000xf32, #tpu.memory_space<hbm>>
        %dma_start3A_460 = tpu.memref_slice %arg17[%sub3A_226] : memref<2x!tpu.dma_semaphore, #tpu.memory_space<semaphore_mem>> -> memref<1x!tpu.dma_semaphore, #tpu.memory_space<semaphore_mem>>
        %dma_start3A_461 = tpu.memref_squeeze %dma_start3A_460 : memref<1x!tpu.dma_semaphore, #tpu.memory_space<semaphore_mem>> -> memref<!tpu.dma_semaphore, #tpu.memory_space<semaphore_mem>>
        tpu.enqueue_indirect_dma source(%dma_start3A_459 : memref<100000xf32, #tpu.memory_space<hbm>>) target(%dma_start3A_454 : memref<72xf32, #tpu.memory_space<vmem>>) offsets(%dma_start3A_457 : memref<72xi32, #tpu.memory_space<vmem>>) semaphore(%dma_start3A_461 : memref<!tpu.dma_semaphore, #tpu.memory_space<semaphore_mem>>)
      } else {
      }
      %ge3A = arith.constant 1 : i32
      %ge3A_284 = arith.cmpi sge, %scan3A_224, %ge3A : i32
      %convert_element_type3A_285 = arith.extui %ge3A_284 : i1 to i32
      %cond3A_286 = arith.constant 0 : i32
      %cond3A_287 = arith.cmpi ne, %convert_element_type3A_285, %cond3A_286 : i32
      scf.if %cond3A_287 {
        %dma_wait3A_399 = arith.constant 0 : i32
        %dma_wait3A_400 = tpu.memref_slice %arg15[%dma_wait3A_399] : memref<208xf32, #tpu.memory_space<vmem>> -> memref<200xf32, #tpu.memory_space<vmem>>
        %dma_wait3A_401 = arith.constant 0 : i32
        %dma_wait3A_402 = tpu.memref_slice %arg8[%dma_wait3A_401] : memref<819200xf32, #tpu.memory_space<hbm>> -> memref<200xf32, #tpu.memory_space<hbm>>
        %dma_wait3A_403 = arith.constant 0 : i32
        %dma_wait3A_404 = tpu.memref_slice %arg8[%dma_wait3A_403] : memref<819200xf32, #tpu.memory_space<hbm>> -> memref<200xf32, #tpu.memory_space<hbm>>
        %dma_wait3A_405 = arith.constant 0 : i32
        %dma_wait3A_406 = tpu.memref_slice %arg15[%dma_wait3A_405] : memref<208xf32, #tpu.memory_space<vmem>> -> memref<200xf32, #tpu.memory_space<vmem>>
        tpu.wait_dma2 semaphore(%arg18 : memref<!tpu.dma_semaphore, #tpu.memory_space<semaphore_mem>>) src(%dma_wait3A_406 : memref<200xf32, #tpu.memory_space<vmem>>) dst(%dma_wait3A_404 : memref<200xf32, #tpu.memory_space<hbm>>)
      } else {
      }
      %broadcast_in_dim3A = vector.broadcast %scan3A_224 : i32 to vector<16xi32>
      %gather3A = tpu.vector_load_idx %arg11[%broadcast_in_dim3A] : memref<128xf32, #tpu.memory_space<vmem>>[vector<16xi32>], vector<16xf32>,
      %get3A = arith.constant 0 : i32
      %get3A_288 = arith.index_cast %and3A_225 : i32 to index
      %get3A_289 = arith.index_cast %get3A : i32 to index
      %get3A_290 = arith.constant 0 : index
      %get3A_291 = tpu.vector_load %arg14[%get3A_288, %get3A_289, %get3A_290] {strides = array<i32>} : memref<2x1x208xf32, #tpu.memory_space<vmem>>, vector<16xf32>,
      %add3A_292 = arith.addf %gather3A, %get3A_291 : vector<16xf32>
      %swap3A = arith.constant 0 : index
      %swap3A_293 = tpu.vector_load %arg15[%swap3A] {strides = array<i32>} : memref<208xf32, #tpu.memory_space<vmem>>, vector<16xf32>,
      tpu.vector_store %arg15[%swap3A], %add3A_292 {strides = array<i32>} : memref<208xf32, #tpu.memory_space<vmem>>, vector<16xf32>,
      %get3A_294 = arith.constant 0 : i32
      %get3A_295 = arith.index_cast %and3A_225 : i32 to index
      %get3A_296 = arith.index_cast %get3A_294 : i32 to index
      %get3A_297 = arith.constant 16 : index
      %get3A_298 = tpu.vector_load %arg14[%get3A_295, %get3A_296, %get3A_297] {strides = array<i32>} : memref<2x1x208xf32, #tpu.memory_space<vmem>>, vector<16xf32>,
      %add3A_299 = arith.addf %gather3A, %get3A_298 : vector<16xf32>
      %swap3A_300 = arith.constant 16 : index
      %swap3A_301 = tpu.vector_load %arg15[%swap3A_300] {strides = array<i32>} : memref<208xf32, #tpu.memory_space<vmem>>, vector<16xf32>,
      tpu.vector_store %arg15[%swap3A_300], %add3A_299 {strides = array<i32>} : memref<208xf32, #tpu.memory_space<vmem>>, vector<16xf32>,
      %get3A_302 = arith.constant 0 : i32
      %get3A_303 = arith.index_cast %and3A_225 : i32 to index
      %get3A_304 = arith.index_cast %get3A_302 : i32 to index
      %get3A_305 = arith.constant 32 : index
      %get3A_306 = tpu.vector_load %arg14[%get3A_303, %get3A_304, %get3A_305] {strides = array<i32>} : memref<2x1x208xf32, #tpu.memory_space<vmem>>, vector<16xf32>,
      %add3A_307 = arith.addf %gather3A, %get3A_306 : vector<16xf32>
      %swap3A_308 = arith.constant 32 : index
      %swap3A_309 = tpu.vector_load %arg15[%swap3A_308] {strides = array<i32>} : memref<208xf32, #tpu.memory_space<vmem>>, vector<16xf32>,
      tpu.vector_store %arg15[%swap3A_308], %add3A_307 {strides = array<i32>} : memref<208xf32, #tpu.memory_space<vmem>>, vector<16xf32>,
      %get3A_310 = arith.constant 0 : i32
      %get3A_311 = arith.index_cast %and3A_225 : i32 to index
      %get3A_312 = arith.index_cast %get3A_310 : i32 to index
      %get3A_313 = arith.constant 48 : index
      %get3A_314 = tpu.vector_load %arg14[%get3A_311, %get3A_312, %get3A_313] {strides = array<i32>} : memref<2x1x208xf32, #tpu.memory_space<vmem>>, vector<16xf32>,
      %add3A_315 = arith.addf %gather3A, %get3A_314 : vector<16xf32>
      %swap3A_316 = arith.constant 48 : index
      %swap3A_317 = tpu.vector_load %arg15[%swap3A_316] {strides = array<i32>} : memref<208xf32, #tpu.memory_space<vmem>>, vector<16xf32>,
      tpu.vector_store %arg15[%swap3A_316], %add3A_315 {strides = array<i32>} : memref<208xf32, #tpu.memory_space<vmem>>, vector<16xf32>,
      %get3A_318 = arith.constant 0 : i32
      %get3A_319 = arith.index_cast %and3A_225 : i32 to index
      %get3A_320 = arith.index_cast %get3A_318 : i32 to index
      %get3A_321 = arith.constant 64 : index
      %get3A_322 = tpu.vector_load %arg14[%get3A_319, %get3A_320, %get3A_321] {strides = array<i32>} : memref<2x1x208xf32, #tpu.memory_space<vmem>>, vector<16xf32>,
      %add3A_323 = arith.addf %gather3A, %get3A_322 : vector<16xf32>
      %swap3A_324 = arith.constant 64 : index
      %swap3A_325 = tpu.vector_load %arg15[%swap3A_324] {strides = array<i32>} : memref<208xf32, #tpu.memory_space<vmem>>, vector<16xf32>,
      tpu.vector_store %arg15[%swap3A_324], %add3A_323 {strides = array<i32>} : memref<208xf32, #tpu.memory_space<vmem>>, vector<16xf32>,
      %get3A_326 = arith.constant 0 : i32
      %get3A_327 = arith.index_cast %and3A_225 : i32 to index
      %get3A_328 = arith.index_cast %get3A_326 : i32 to index
      %get3A_329 = arith.constant 80 : index
      %get3A_330 = tpu.vector_load %arg14[%get3A_327, %get3A_328, %get3A_329] {strides = array<i32>} : memref<2x1x208xf32, #tpu.memory_space<vmem>>, vector<16xf32>,
      %add3A_331 = arith.addf %gather3A, %get3A_330 : vector<16xf32>
      %swap3A_332 = arith.constant 80 : index
      %swap3A_333 = tpu.vector_load %arg15[%swap3A_332] {strides = array<i32>} : memref<208xf32, #tpu.memory_space<vmem>>, vector<16xf32>,
      tpu.vector_store %arg15[%swap3A_332], %add3A_331 {strides = array<i32>} : memref<208xf32, #tpu.memory_space<vmem>>, vector<16xf32>,
      %get3A_334 = arith.constant 0 : i32
      %get3A_335 = arith.index_cast %and3A_225 : i32 to index
      %get3A_336 = arith.index_cast %get3A_334 : i32 to index
      %get3A_337 = arith.constant 96 : index
      %get3A_338 = tpu.vector_load %arg14[%get3A_335, %get3A_336, %get3A_337] {strides = array<i32>} : memref<2x1x208xf32, #tpu.memory_space<vmem>>, vector<16xf32>,
      %add3A_339 = arith.addf %gather3A, %get3A_338 : vector<16xf32>
      %swap3A_340 = arith.constant 96 : index
      %swap3A_341 = tpu.vector_load %arg15[%swap3A_340] {strides = array<i32>} : memref<208xf32, #tpu.memory_space<vmem>>, vector<16xf32>,
      tpu.vector_store %arg15[%swap3A_340], %add3A_339 {strides = array<i32>} : memref<208xf32, #tpu.memory_space<vmem>>, vector<16xf32>,
      %get3A_342 = arith.constant 0 : i32
      %get3A_343 = arith.index_cast %and3A_225 : i32 to index
      %get3A_344 = arith.index_cast %get3A_342 : i32 to index
      %get3A_345 = arith.constant 112 : index
      %get3A_346 = tpu.vector_load %arg14[%get3A_343, %get3A_344, %get3A_345] {strides = array<i32>} : memref<2x1x208xf32, #tpu.memory_space<vmem>>, vector<16xf32>,
      %add3A_347 = arith.addf %gather3A, %get3A_346 : vector<16xf32>
      %swap3A_348 = arith.constant 112 : index
      %swap3A_349 = tpu.vector_load %arg15[%swap3A_348] {strides = array<i32>} : memref<208xf32, #tpu.memory_space<vmem>>, vector<16xf32>,
      tpu.vector_store %arg15[%swap3A_348], %add3A_347 {strides = array<i32>} : memref<208xf32, #tpu.memory_space<vmem>>, vector<16xf32>,
      %get3A_350 = arith.constant 0 : i32
      %get3A_351 = arith.index_cast %and3A_225 : i32 to index
      %get3A_352 = arith.index_cast %get3A_350 : i32 to index
      %get3A_353 = arith.constant 128 : index
      %get3A_354 = tpu.vector_load %arg14[%get3A_351, %get3A_352, %get3A_353] {strides = array<i32>} : memref<2x1x208xf32, #tpu.memory_space<vmem>>, vector<16xf32>,
      %add3A_355 = arith.addf %gather3A, %get3A_354 : vector<16xf32>
      %swap3A_356 = arith.constant 128 : index
      %swap3A_357 = tpu.vector_load %arg15[%swap3A_356] {strides = array<i32>} : memref<208xf32, #tpu.memory_space<vmem>>, vector<16xf32>,
      tpu.vector_store %arg15[%swap3A_356], %add3A_355 {strides = array<i32>} : memref<208xf32, #tpu.memory_space<vmem>>, vector<16xf32>,
      %get3A_358 = arith.constant 0 : i32
      %get3A_359 = arith.index_cast %and3A_225 : i32 to index
      %get3A_360 = arith.index_cast %get3A_358 : i32 to index
      %get3A_361 = arith.constant 144 : index
      %get3A_362 = tpu.vector_load %arg14[%get3A_359, %get3A_360, %get3A_361] {strides = array<i32>} : memref<2x1x208xf32, #tpu.memory_space<vmem>>, vector<16xf32>,
      %add3A_363 = arith.addf %gather3A, %get3A_362 : vector<16xf32>
      %swap3A_364 = arith.constant 144 : index
      %swap3A_365 = tpu.vector_load %arg15[%swap3A_364] {strides = array<i32>} : memref<208xf32, #tpu.memory_space<vmem>>, vector<16xf32>,
      tpu.vector_store %arg15[%swap3A_364], %add3A_363 {strides = array<i32>} : memref<208xf32, #tpu.memory_space<vmem>>, vector<16xf32>,
      %get3A_366 = arith.constant 0 : i32
      %get3A_367 = arith.index_cast %and3A_225 : i32 to index
      %get3A_368 = arith.index_cast %get3A_366 : i32 to index
      %get3A_369 = arith.constant 160 : index
      %get3A_370 = tpu.vector_load %arg14[%get3A_367, %get3A_368, %get3A_369] {strides = array<i32>} : memref<2x1x208xf32, #tpu.memory_space<vmem>>, vector<16xf32>,
      %add3A_371 = arith.addf %gather3A, %get3A_370 : vector<16xf32>
      %swap3A_372 = arith.constant 160 : index
      %swap3A_373 = tpu.vector_load %arg15[%swap3A_372] {strides = array<i32>} : memref<208xf32, #tpu.memory_space<vmem>>, vector<16xf32>,
      tpu.vector_store %arg15[%swap3A_372], %add3A_371 {strides = array<i32>} : memref<208xf32, #tpu.memory_space<vmem>>, vector<16xf32>,
      %get3A_374 = arith.constant 0 : i32
      %get3A_375 = arith.index_cast %and3A_225 : i32 to index
      %get3A_376 = arith.index_cast %get3A_374 : i32 to index
      %get3A_377 = arith.constant 176 : index
      %get3A_378 = tpu.vector_load %arg14[%get3A_375, %get3A_376, %get3A_377] {strides = array<i32>} : memref<2x1x208xf32, #tpu.memory_space<vmem>>, vector<16xf32>,
      %add3A_379 = arith.addf %gather3A, %get3A_378 : vector<16xf32>
      %swap3A_380 = arith.constant 176 : index
      %swap3A_381 = tpu.vector_load %arg15[%swap3A_380] {strides = array<i32>} : memref<208xf32, #tpu.memory_space<vmem>>, vector<16xf32>,
      tpu.vector_store %arg15[%swap3A_380], %add3A_379 {strides = array<i32>} : memref<208xf32, #tpu.memory_space<vmem>>, vector<16xf32>,
      %get3A_382 = arith.constant 0 : i32
      %get3A_383 = arith.index_cast %and3A_225 : i32 to index
      %get3A_384 = arith.index_cast %get3A_382 : i32 to index
      %get3A_385 = arith.constant 192 : index
      %get3A_386 = tpu.vector_load %arg14[%get3A_383, %get3A_384, %get3A_385] {strides = array<i32>} : memref<2x1x208xf32, #tpu.memory_space<vmem>>, vector<16xf32>,
      %add3A_387 = arith.addf %gather3A, %get3A_386 : vector<16xf32>
      %swap3A_388 = arith.constant 192 : index
      %swap3A_389 = tpu.vector_load %arg15[%swap3A_388] {strides = array<i32>} : memref<208xf32, #tpu.memory_space<vmem>>, vector<16xf32>,
      tpu.vector_store %arg15[%swap3A_388], %add3A_387 {strides = array<i32>} : memref<208xf32, #tpu.memory_space<vmem>>, vector<16xf32>,
      %add3A_390 = arith.addi %mul3A_2, %scan3A_224 : i32
      %mul3A_391 = arith.constant 200 : i32
      %mul3A_392 = arith.muli %add3A_390, %mul3A_391 : i32
      %dma_start3A_393 = arith.constant 0 : i32
      %dma_start3A_394 = tpu.memref_slice %arg15[%dma_start3A_393] : memref<208xf32, #tpu.memory_space<vmem>> -> memref<200xf32, #tpu.memory_space<vmem>>
      %dma_start3A_395 = tpu.memref_slice %arg8[%mul3A_392] : memref<819200xf32, #tpu.memory_space<hbm>> -> memref<200xf32, #tpu.memory_space<hbm>>
      %dma_start3A_396 = tpu.memref_slice %arg8[%mul3A_392] : memref<819200xf32, #tpu.memory_space<hbm>> -> memref<200xf32, #tpu.memory_space<hbm>>
      %dma_start3A_397 = arith.constant 0 : i32
      %dma_start3A_398 = tpu.memref_slice %arg15[%dma_start3A_397] : memref<208xf32, #tpu.memory_space<vmem>> -> memref<200xf32, #tpu.memory_space<vmem>>
      tpu.enqueue_dma source(%dma_start3A_398 : memref<200xf32, #tpu.memory_space<vmem>>) target(%dma_start3A_396 : memref<200xf32, #tpu.memory_space<hbm>>) target_semaphore(%arg18 : memref<!tpu.dma_semaphore, #tpu.memory_space<semaphore_mem>>)
    }
    %scan3A_215 = arith.constant 128 : i32
    %dma_wait3A_216 = arith.constant 0 : i32
    %dma_wait3A_217 = tpu.memref_slice %arg15[%dma_wait3A_216] : memref<208xf32, #tpu.memory_space<vmem>> -> memref<200xf32, #tpu.memory_space<vmem>>
    %dma_wait3A_218 = arith.constant 0 : i32
    %dma_wait3A_219 = tpu.memref_slice %arg8[%dma_wait3A_218] : memref<819200xf32, #tpu.memory_space<hbm>> -> memref<200xf32, #tpu.memory_space<hbm>>
    %dma_wait3A_220 = arith.constant 0 : i32
    %dma_wait3A_221 = tpu.memref_slice %arg8[%dma_wait3A_220] : memref<819200xf32, #tpu.memory_space<hbm>> -> memref<200xf32, #tpu.memory_space<hbm>>
    %dma_wait3A_222 = arith.constant 0 : i32
    %dma_wait3A_223 = tpu.memref_slice %arg15[%dma_wait3A_222] : memref<208xf32, #tpu.memory_space<vmem>> -> memref<200xf32, #tpu.memory_space<vmem>>
    tpu.wait_dma2 semaphore(%arg18 : memref<!tpu.dma_semaphore, #tpu.memory_space<semaphore_mem>>) src(%dma_wait3A_223 : memref<200xf32, #tpu.memory_space<vmem>>) dst(%dma_wait3A_221 : memref<200xf32, #tpu.memory_space<hbm>>)
    return
  }
}

</mosaic_0001>

<sc_bundles>
// kernel: _mf_score.3.cloned.1.call-start
scs
__scs_entry_jumppad:
0x0: {  	(pc) =	sbr.rel $0x88, $3  }
0x1: {  	(tag) =	ssettag $0x0;
	lr =	simm.s32 $0x1  }
0x2: {  	[smem:$0x3F9B] =	sst lr;
	_ =	strace $0xD0000000  }
0x3: {  	_ = 	snop  }
0x4: {  	_ = 	snop  }
0x5: {  	_ = 	snop  }
0x6: {  	_ = 	snop  }
0x7: {  	_ = 	snop  }
__scs_overlays_trampoline_lowered:
0x8: {  	[smem:$0x3FAA] =	sst s0  }
0x9: {  	[smem:$0x3FAB] =	sst s1  }
0xa: {  	[smem:$0x3FAC] =	sst s2  }
0xb: {  	[smem:$0x3FAD] =	sst s3  }
0xc: {  	[smem:$0x3FAE] =	sst s4  }
0xd: {  	[smem:$0x3FAF] =	sst s5  }
0xe: {  	[smem:$0x3FB0] =	sst s6  }
0xf: {  	[smem:$0x3FB1] =	sst s7  }
0x10: {  	[smem:$0x3FB2] =	sst s8  }
0x11: {  	[smem:$0x3FB3] =	sst s9;
	s0 =	simm.s32 @!p0 $0x0  }
0x12: {  	s1 =	sld [smem:$0x3F99];
	s0 =	simm.s32 @p0 $0x1  }
0x13: {  	[smem:$0x3FB4] =	sst s0;
	s0 =	simm.s32 @!p1 $0x0  }
0x14: {  	s2 =	sld [smem:$0x3F98];
	s0 =	simm.s32 @p1 $0x1  }
0x15: {  	[smem:$0x3FB5] =	sst s0;
	s0 =	simm.s32 @!p2 $0x0  }
0x16: {  	s3 =	sld [smem:$0x3FDB];
	s0 =	simm.s32 @p2 $0x1  }
0x17: {  	s4 =	simm.s32 $0x1BF5;
	[smem:$0x3FB7] =	sst s0  }
0x18: {  	s0 =	sld [smem:$0x3F9A];
	_ =	swait.ge [sflag:s4], $0x0  }
0x19: {  	s7 =	sld [smem:$0x3F9B]  }
0x1a: {  	s8 =	sadd.s32 $0xFFFFE003, lr  }
0x1b: {  	s9 =	sadd.s32 $0xFFFFFEF7, lr;
	s5 =	simm.s32 $0xFFFFFFFF;
	p2 =	slt.u32 s8, $0xFFFFF086  }
0x1c: {  	p1 =	slt.u32 s9, $0xF7A;
	s5 =	simm.s32 @!p2 $0x0  }
0x1d: {  	s5 =	simm.s32 @p1 $0x1;
	p0 =	seq.s32 s7, s2  }
0x1e: {  	s7 =	smul.u32 @!p0 $0xF7A, s2;
	p2 =	seq.s32 @!p0 s5, $0x0  }
0x1f: {  	s9 =	smul.u32 $0xF7A, s1;
	s8 =	simm.s32 @!p0 $0x1BF5;
	p2 =	por !p2, p0  }
0x20: {  	[sflag:s8] =	ssyncset.s32 @!p0 $0xFFFFF086;
	s6 =	sadd.s32 @!p0 s3, s7;
	s7 =	simm.s32 @!p0 $0x108  }
0x21: {  	s3 =	sadd.s32 s3, s9;
	s6 =	sadd.s32 @!p0 $0x88, s6;
	s7 =	simm.s32 @p2 $0x1082  }
0x22: {  	[simem:s7], [sflag:s8] =	dma.local @!p0 [hbm:s6], $0xF7A  }
0x23: {  	s9 =	sor.u32 $0xD0000000, s2;
	s6 =	simm.s32 $0x108;
	_ =	swait.ge @!p0 [sflag:s8], $0x0  }
0x24: {  	s3 =	sadd.s32 $0x88, s3;
	s6 =	simm.s32 @!p1 $0x1082;
	[sflag:s4] =	ssyncset.s32 $0xFFFFF086  }
0x25: {  	[simem:s6], [sflag:s4] =	dma.local [hbm:s3], $0xF7A  }
0x26: {  	[smem:$0x3F9B] =	sst s1;
	(tag) =	ssettag s2;
	_ =	strace s9  }
0x27: {  	s1 =	sld [smem:$0x3FAB]  }
0x28: {  	s2 =	sld [smem:$0x3FAC]  }
0x29: {  	s4 =	sld [smem:$0x3FAE]  }
0x2a: {  	p0 =	seq.s32 s5, $0x0;
	s5 =	sld [smem:$0x3FAF]  }
0x2b: {  	s6 =	sld [smem:$0x3FB0]  }
0x2c: {  	s7 =	sld [smem:$0x3FB1]  }
0x2d: {  	s3 =	simm.s32 $0x108;
	s8 =	sld [smem:$0x3FB2]  }
0x2e: {  	s3 =	simm.s32 @!p0 $0x1082;
	s9 =	sld [smem:$0x3FB3]  }
0x2f: {  	lr =	sadd.s32 s0, s3;
	s0 =	sld [smem:$0x3FAA]  }
0x30: {  	s3 =	sld [smem:$0x3FAD]  }
0x31: {  	[smem:$0x3FB6] =	sst s10  }
0x32: {  	s10 =	sld [smem:$0x3FB4];
	_ =	sdelay $0x3  }
0x33: {  	p0 =	seq.s32 s10, $0x1;
	s10 =	sld [smem:$0x3FB6];
	_ =	sdelay $0x3  }
0x34: {  	[smem:$0x3FB6] =	sst s10  }
0x35: {  	s10 =	sld [smem:$0x3FB5];
	_ =	sdelay $0x3  }
0x36: {  	p1 =	seq.s32 s10, $0x1;
	s10 =	sld [smem:$0x3FB6];
	_ =	sdelay $0x3  }
0x37: {  	[smem:$0x3FB6] =	sst s10  }
0x38: {  	s10 =	sld [smem:$0x3FB7]  }
0x39: {  	_ = 	snop;
	(pc) =	sbr.ind lr, $3  }
0x3a: {  	_ = 	snop  }
0x3b: {  	_ = 	snop  }
0x3c: {  	p2 =	seq.s32 s10, $0x1;
	s10 =	sld [smem:$0x3FB6]  }
0x3d: {  	_ =	shalt  }
0x3e: {  	_ =	shalt  }
0x3f: {  	_ =	shalt  }
0x40: {  	_ =	shalt  }
0x41: {  	_ =	shalt  }
0x42: {  	_ =	shalt  }
0x43: {  	_ =	shalt  }
0x44: {  	_ =	shalt  }
0x45: {  	_ =	shalt  }
0x46: {  	_ =	shalt  }
0x47: {  	_ =	shalt  }
0x48: {  	_ =	shalt  }
0x49: {  	_ =	shalt  }
0x4a: {  	_ =	shalt  }
0x4b: {  	_ =	shalt  }
0x4c: {  	_ =	shalt  }
0x4d: {  	_ =	shalt  }
0x4e: {  	_ =	shalt  }
0x4f: {  	_ =	shalt  }
0x50: {  	_ =	shalt  }
0x51: {  	_ =	shalt  }
0x52: {  	_ =	shalt  }
0x53: {  	_ =	shalt  }
0x54: {  	_ =	shalt  }
0x55: {  	_ =	shalt  }
0x56: {  	_ =	shalt  }
0x57: {  	_ =	shalt  }
0x58: {  	_ =	shalt  }
0x59: {  	_ =	shalt  }
0x5a: {  	_ =	shalt  }
0x5b: {  	_ =	shalt  }
0x5c: {  	_ =	shalt  }
0x5d: {  	_ =	shalt  }
0x5e: {  	_ =	shalt  }
0x5f: {  	_ =	shalt  }
0x60: {  	_ =	shalt  }
0x61: {  	_ =	shalt  }
0x62: {  	_ =	shalt  }
0x63: {  	_ =	shalt  }
0x64: {  	_ =	shalt  }
0x65: {  	_ =	shalt  }
0x66: {  	_ =	shalt  }
0x67: {  	_ =	shalt  }
0x68: {  	_ =	shalt  }
0x69: {  	_ =	shalt  }
0x6a: {  	_ =	shalt  }
0x6b: {  	_ =	shalt  }
0x6c: {  	_ =	shalt  }
0x6d: {  	_ =	shalt  }
0x6e: {  	_ =	shalt  }
0x6f: {  	_ =	shalt  }
0x70: {  	_ =	shalt  }
0x71: {  	_ =	shalt  }
0x72: {  	_ =	shalt  }
0x73: {  	_ =	shalt  }
0x74: {  	_ =	shalt  }
0x75: {  	_ =	shalt  }
0x76: {  	_ =	shalt  }
0x77: {  	_ =	shalt  }
0x78: {  	_ =	shalt  }
0x79: {  	_ =	shalt  }
0x7a: {  	_ =	shalt  }
0x7b: {  	_ =	shalt  }
0x7c: {  	_ =	shalt  }
0x7d: {  	_ =	shalt  }
0x7e: {  	_ =	shalt  }
0x7f: {  	_ =	shalt  }
0x80: {  	_ =	shalt  }
0x81: {  	_ =	shalt  }
0x82: {  	_ =	shalt  }
0x83: {  	_ =	shalt  }
0x84: {  	_ =	shalt  }
0x85: {  	_ =	shalt  }
0x86: {  	_ =	shalt  }
0x87: {  	_ =	shalt  }
.Lfunc_end0:
.L_simem_size_0:
called_computation_lowered:
.L_overlay_start_0:
0x88: {  	s2 =	sld [smem:$0x3FD9]  }
0x89: {  	s3 =	sld [smem:$0x3FFE];
	_ =	sdelay $0x1  }
0x8a: {  	s1 =	srdreg.scid  }
0x8b: {  	s0 =	sand.u32 $0x1, s1  }
0x8c: {  	s18 =	sshll.u32 s0, $0xA;
	s2 =	sadd.s32 s3, s2  }
0x8d: {  	s2 =	sadd.s32 s2, s18  }
0x8e: {  	[smem:$0x3FC2] =	sst s2  }
0x8f: {  	_ = 	snop  }
0x90: {  	s2 =	sld [smem:$0x3FC9]  }
0x91: {  	s19 =	sld [smem:$0x3FC8]  }
0x92: {  	s4 =	sld [smem:$0x3FC7]  }
0x93: {  	s5 =	sld [smem:$0x3FC6]  }
0x94: {  	s6 =	sld [smem:$0x3FC5]  }
0x95: {  	s7 =	sld [smem:$0x3FC4]  }
0x96: {  	s8 =	sld [smem:$0x3FD0];
	(tm) =	ssettm $0x1  }
0x97: {  	s9 =	sld [smem:$0x3FFB];
	_ =	sdelay $0x3  }
0x98: {  	_ =	strace s9  }
0x99: {  	s9 =	sld [smem:$0x3FFC];
	_ =	sdelay $0x3  }
0x9a: {  	_ =	strace s9  }
0x9b: {  	s9 =	sld [smem:$0x3FFD];
	_ =	sdelay $0x3  }
0x9c: {  	_ =	strace s9  }
0x9d: {  	_ =	strace $0x8FFFFFFF  }
0x9e: {  	s20 =	sld [smem:$0x3FDB];
	_ =	sdelay $0x1  }
0x9f: {  	s10 =	simm.s32 $_scs_section_size  }
0xa0: {  	s11 =	simm.s32 $_size__tile_overlayer_lowered;
	s12 =	simm.s32 $_tile_overlayer_lowered  }
0xa1: {  	s23 =	simm.s32 $0x1BFF;
	s22 =	sshll.u32 s12, $0x1;
	s9 =	sadd.s32 s10, s20  }
0xa2: {  	s13 =	simm.s32 $0x0;
	s21 =	sshll.u32 s11, $0x1;
	s11 =	sadd.s32 s22, s9  }
0xa3: {  	[timem:s13], [sflag:s23] =	dma.local [hbm:s11], s21  }
0xa4: {  	_ =	swait.ge [sflag:s23], s21  }
0xa5: {  	s10 =	ssub.s32 $0x0, s21;
	[sflag:s23] =	ssyncset.done $0x0  }
0xa6: {  	[sflag:s23] =	ssyncadd.s32 s10;
	_ =	sdelay $0x1  }
0xa7: {  	s24 =	simm.s32 $0x1B8B  }
0xa8: {  	_ =	swait.ge [sflag:s24], $0x1  }
0xa9: {  	[sflag:s24] =	ssyncset.done $0x0  }
0xaa: {  	s25 =	simm.s32 $0x1B8E;
	[sflag:s24] =	ssyncadd.s32 $0xFFFFFFFF  }
0xab: {  	s26 =	simm.s32 $execute0_lowered;
	[smem:$0x3FD2] =	sst s25  }
0xac: {  	s10 =	sshll.u32 s26, $0x1;
	_ =	strace $0x80000046;
	[dreg:$0x1] =	wrdreg $0xFFFFFFFF  }
0xad: {  	s28 =	simm.s32 $_size_execute0_lowered;
	s9 =	sadd.s32 s9, s10;
	[dreg:$0x0] =	wrdreg $0x0  }
0xae: {  	s10 =	sshll.u32 s28, $0x1;
	[dreg:$0x2] =	wrdreg s9  }
0xaf: {  	[dreg:$0x3] =	wrdreg s10  }
0xb0: {  	[dreg:$0x4] =	wrdreg $0xC0  }
0xb1: {  	_ =	task [dreg:s13], $0x5FFFF  }
0xb2: {  	[dreg:$0x1] =	wrdreg $0xFFFFFFFF  }
0xb3: {  	[dreg:$0x0] =	wrdreg $0x60  }
0xb4: {  	[dreg:$0x2] =	wrdreg s2  }
0xb5: {  	[dreg:$0x3] =	wrdreg s19  }
0xb6: {  	[dreg:$0x4] =	wrdreg s4  }
0xb7: {  	[dreg:$0x5] =	wrdreg s5  }
0xb8: {  	[dreg:$0x6] =	wrdreg s6  }
0xb9: {  	[dreg:$0x7] =	wrdreg s7  }
0xba: {  	[dreg:$0x8] =	wrdreg s8  }
0xbb: {  	[dreg:$0x9] =	wrdreg $0x9  }
0xbc: {  	_ =	task.clear_ibuf [dreg:s13], $0xAFFFF;
	_ =	strace $0x90000046  }
0xbd: {  	s29 =	simm.s32 $0x9;
	_ =	strace $0x80000048  }
0xbe: {  	_ =	swait.ge [sflag:s29], $0x1  }
0xbf: {  	[sflag:s29] =	ssyncadd.s32 $0xFFFFFFFF  }
0xc0: {  	_ =	strace $0x90000048  }
0xc1: {  	_ =	sfence  }
0xc2: {  	s30 =	sld [smem:$0x0];
	_ =	sdelay $0x2  }
0xc3: {  	s31 =	sshll.u32 s1, $0xD;
	s1 =	sshrl.u32 s1, $0x2  }
0xc4: {  	s3 =	sand.u32 $0x4000, s31;
	s1 =	sadd.s32 s1, s30  }
0xc5: {  	s0 =	sor.u32 s3, s0;
	s1 =	sshll.u32 s1, $0x11  }
0xc6: {  	s0 =	sor.u32 s1, s0  }
0xc7: {  	s0 =	sadd.s32 $0x8F2B, s0  }
0xc8: {  	[sflag:s0] =	ssyncadd.remote.s32 $0x1  }
0xc9: {  	_ =	sfence.sel $0xFFFF  }
0xca: {  	[dreg:$0x0] =	wrdreg $0xFFFFFFFF;
	(pc) =	sbr.abs _section_cstart, $3  }
0xcb: {  	[dreg:$0x1] =	wrdreg $0xFFFFFFFF  }
0xcc: {  	_ =	task.clear_ibuf [dreg:s13], $0x2FFFF;
	_ =	strace $0x9FFFFFFF  }
0xcd: {  	(tm) =	ssettm $0x7FFFFFFF  }
tec
execute0_lowered:
.L_overlay_start_1:
0x0: {  	(tag) =	ssettag $0x1  }
0x1: {  	s1 =	rddreg [dreg:$0x0]  }
0x2: {  	s3 =	rddreg [dreg:$0x1]  }
0x3: {  	s2 =	rddreg [dreg:$0x3]  }
0x4: {  	s5 =	rddreg [dreg:$0x5]  }
0x5: {  	s11 =	rddreg [dreg:$0x6]  }
0x6: {  	s6 =	srdreg.scid;
	s0 =	stileid.u32;
	s14 =	simm.s32 $0x80  }
0x7: {  	s15 =	simm.s32 $0x4080;
	s16 =	simm.s32 $0x4100;
	s18 =	simm.s32 $0x1  }
0x8: {  	s20 =	simm.s32 $0x48;
	s21 =	simm.s32 $0x4180;
	s22 =	simm.s32 $0x8300  }
0x9: {  	s23 =	simm.s32 $0x10B00;
	s24 =	simm.s32 $0x10B80;
	s28 =	simm.s32 $0x5  }
0xa: {  	s29 =	simm.s32 $0x0;
	s8 =	sand.u32 $0x1, s6;
	s7 =	sshll.u32 s0, $0x1  }
0xb: {  	s6 =	simm.s32 $0x0;
	s13 =	smul.u32 $0x1900, s0;
	s9 =	ssub.s32 $0x2, s8  }
0xc: {  	s7 =	sor.u32 s8, s7;
	[smem:$0x7FF] =	sst s6;
	s26 =	smul.u32 $0xC80, s8  }
0xd: {  	s10 =	sshrl.u32 s9, $0x1;
	s12 =	smul.u32 $0xC80, s7;
	_ =	strace $0x80000047  }
.Ltmp0:
0xe: {  	s25 =	sshll.u32 s7, $0x4;
	s30 =	sadd.s32 s13, s3;
	(pc) =	sbr.rel .LBB2_1-.Ltmp0, $4  }
0xf: {  	s31 =	sadd.s32 s13, s11;
	s13 =	simm.s32 $0x7;
	s10 =	ssub.s32 s9, s10  }
0x10: {  	s8 =	sadd.s32 s1, s25;
	s1 =	sadd.s32 s26, s30;
	s25 =	simm.s32 $0x6  }
0x11: {  	s7 =	sadd.s32 s3, s12;
	s10 =	smax.u32 s10, $0x1;
	s11 =	sadd.s32 $0x32, s1  }
0x12: {  	s12 =	sadd.s32 s26, s31;
	s26 =	simm.s32 $0x10D00;
	s9 =	sadd.s32 $0x19, s7  }
.LBB2_8:
0x13: {  	s29 =	sadd.s32 $0x1, s29  }
0x14: {  	p0 =	sne.s32 s29, s10  }
.Ltmp1:
0x15: {  	_ = 	snop;
	(pc) =	sbr.rel @!p0 .LBB2_9-.Ltmp1, $4  }
0x16: {  	_ = 	snop  }
0x17: {  	_ =	swait.ge [sflag:s28], $0xC8  }
0x18: {  	[sflag:s28] =	ssyncset.done $0x0  }
0x19: {  	[sflag:s28] =	ssyncadd.s32 $0xFFFFFF38  }
.LBB2_1:
0x1a: {  	[tilespmem:s6], [sflag:$0x7] =	stream.linear.gather [hbm4b:s8+s6], $0x80, $0x38;
	[tilespmem:$0x10E00] =	vst v63  }
0x1b: {  	_ =	swait.ge [sflag:s13], $0x80  }
0x1c: {  	[sflag:s13] =	ssyncset.done $0x0  }
0x1d: {  	[sflag:s13] =	ssyncadd.s32 $0xFFFFFF80  }
0x1e: {  	s0 =	rddreg [dreg:$0x4]  }
0x1f: {  	[tilespmem:s14], [sflag:$0x6] =	stream.indirect.gather [hbm4b:s0+s14], $0x80, s6, s14, $0xb8;
	[tilespmem:$0x10E00] =	vst v63  }
0x20: {  	s4 =	rddreg [dreg:$0x2]  }
0x21: {  	[tilespmem:s15], [sflag:$0x6] =	stream.indirect.gather [hbm4b:s4+s14], $0x1, s6, s14, $0xb8;
	[tilespmem:$0x10E00] =	vst v63  }
0x22: {  	_ = 	snop  }
0x23: {  	[tilespmem:s16], [sflag:$0x1] =	stream.linear.gather [hbm4b:s7+s6], $0xC8, $0x38;
	[tilespmem:$0x10E00] =	vst v63  }
0x24: {  	s17 =	simm.s32 $0x4200  }
0x25: {  	[tilespmem:s17], [sflag:$0x2] =	stream.linear.gather [hbm4b:s9+s6], $0xC8, $0x38;
	[tilespmem:$0x10E00] =	vst v63  }
0x26: {  	_ =	swait.ge [sflag:s18], $0xC8  }
0x27: {  	[sflag:s18] =	ssyncset.done $0x0  }
0x28: {  	s19 =	simm.s32 $0x4300;
	[sflag:s18] =	ssyncadd.s32 $0xFFFFFF38  }
0x29: {  	[tilespmem:s19], [sflag:$0x3] =	stream.indirect.gather [hbm4b:s5+s14], $0x80, s16, s14, $0xb8;
	[tilespmem:$0x10E00] =	vst v63  }
0x2a: {  	_ = 	snop  }
0x2b: {  	[tilespmem:s22], [sflag:$0x3] =	stream.indirect.gather [hbm4b:s5+s20], $0x80, s21, s20, $0xb8;
	[tilespmem:$0x10E00] =	vst v63  }
0x2c: {  	_ = 	snop  }
0x2d: {  	[tilespmem:s23], [sflag:$0x3] =	stream.indirect.gather [hbm4b:s2+s14], $0x1, s16, s14, $0xb8;
	[tilespmem:$0x10E00] =	vst v63  }
0x2e: {  	_ = 	snop  }
0x2f: {  	[tilespmem:s24], [sflag:$0x3] =	stream.indirect.gather [hbm4b:s2+s20], $0x1, s21, s20, $0xb8;
	[tilespmem:$0x10E00] =	vst v63  }
0x30: {  	_ =	swait.ge [sflag:s25], $0x4000  }
.Ltmp2:
0x31: {  	[sflag:s25] =	ssyncset.done $0x0;
	(pc) =	sbr.rel .LBB2_2-.Ltmp2, $4  }
0x32: {  	[sflag:s25] =	ssyncadd.s32 $0xFFFFC000  }
0x33: {  	_ =	swait.ge [sflag:s25], $0x80  }
0x34: {  	[sflag:s25] =	ssyncset.done $0x0  }
0x35: {  	s30 =	simm.s32 $0x0;
	s31 =	simm.s32 $0x0;
	[sflag:s25] =	ssyncadd.s32 $0xFFFFFF80  }
.LBB2_6:
0x36: {  	_ =	swait.ge [sflag:s28], $0xC8  }
0x37: {  	[sflag:s28] =	ssyncset.done $0x0  }
0x38: {  	[sflag:s28] =	ssyncadd.s32 $0xFFFFFF38  }
.LBB2_7:
0x39: {  	v0 =	vmov s31;
	_ =	sdelay $0x3  }
0x3a: {  	v1 =	vld [tilespmem:s1+$0x10B00]  }
0x3b: {  	v0 =	vld.idx.msk [tilespmem:v0+s15+$0x0], $0xffff;
	_ =	sdelay $0x4  }
0x3c: {  	v1 =	vadd.f32 v1, v0;
	_ =	sdelay $0x1  }
0x3d: {  	[tilespmem:$0x10D00] =	vst v1  }
0x3e: {  	v1 =	vld [tilespmem:s1+$0x10B10];
	_ =	sdelay $0x4  }
0x3f: {  	v1 =	vadd.f32 v1, v0;
	_ =	sdelay $0x1  }
0x40: {  	[tilespmem:$0x10D10] =	vst v1  }
0x41: {  	v1 =	vld [tilespmem:s1+$0x10B20];
	_ =	sdelay $0x4  }
0x42: {  	v1 =	vadd.f32 v1, v0;
	_ =	sdelay $0x1  }
0x43: {  	[tilespmem:$0x10D20] =	vst v1  }
0x44: {  	v1 =	vld [tilespmem:s1+$0x10B30];
	_ =	sdelay $0x4  }
0x45: {  	v1 =	vadd.f32 v1, v0;
	_ =	sdelay $0x1  }
0x46: {  	[tilespmem:$0x10D30] =	vst v1  }
0x47: {  	v1 =	vld [tilespmem:s1+$0x10B40];
	_ =	sdelay $0x4  }
0x48: {  	v1 =	vadd.f32 v1, v0;
	_ =	sdelay $0x1  }
0x49: {  	[tilespmem:$0x10D40] =	vst v1  }
0x4a: {  	v1 =	vld [tilespmem:s1+$0x10B50];
	_ =	sdelay $0x4  }
0x4b: {  	v1 =	vadd.f32 v1, v0;
	_ =	sdelay $0x1  }
0x4c: {  	[tilespmem:$0x10D50] =	vst v1  }
0x4d: {  	v1 =	vld [tilespmem:s1+$0x10B60];
	_ =	sdelay $0x4  }
0x4e: {  	v1 =	vadd.f32 v1, v0;
	_ =	sdelay $0x1  }
0x4f: {  	[tilespmem:$0x10D60] =	vst v1  }
0x50: {  	v1 =	vld [tilespmem:s1+$0x10B70];
	_ =	sdelay $0x4  }
0x51: {  	v1 =	vadd.f32 v1, v0;
	_ =	sdelay $0x1  }
0x52: {  	[tilespmem:$0x10D70] =	vst v1  }
0x53: {  	v1 =	vld [tilespmem:s1+$0x10B80];
	_ =	sdelay $0x4  }
0x54: {  	v1 =	vadd.f32 v1, v0;
	_ =	sdelay $0x1  }
0x55: {  	[tilespmem:$0x10D80] =	vst v1  }
0x56: {  	v1 =	vld [tilespmem:s1+$0x10B90];
	_ =	sdelay $0x4  }
0x57: {  	v1 =	vadd.f32 v1, v0;
	_ =	sdelay $0x1  }
0x58: {  	[tilespmem:$0x10D90] =	vst v1  }
0x59: {  	v1 =	vld [tilespmem:s1+$0x10BA0];
	_ =	sdelay $0x4  }
0x5a: {  	v1 =	vadd.f32 v1, v0;
	_ =	sdelay $0x1  }
0x5b: {  	[tilespmem:$0x10DA0] =	vst v1  }
0x5c: {  	v1 =	vld [tilespmem:s1+$0x10BB0];
	_ =	sdelay $0x4  }
0x5d: {  	v1 =	vadd.f32 v1, v0;
	_ =	sdelay $0x1  }
0x5e: {  	[tilespmem:$0x10DB0] =	vst v1  }
0x5f: {  	v1 =	vld [tilespmem:s1+$0x10BC0];
	_ =	sdelay $0x1  }
0x60: {  	s0 =	sadd.s32 s30, s12;
	s30 =	sadd.s32 $0x19, s30  }
0x61: {  	p0 =	sne.s32 s30, $0xC80  }
.Ltmp3:
0x62: {  	_ = 	snop;
	(pc) =	sbr.rel @!p0 .LBB2_8-.Ltmp3, $3  }
0x63: {  	v0 =	vadd.f32 v1, v0;
	_ =	sdelay $0x1  }
0x64: {  	s31 =	sadd.s32 $0x1, s31;
	[tilespmem:$0x10DC0] =	vst v0  }
0x65: {  	[hbm4b:s0+s6] =	stream.linear.scatter [tilespmem:s26], [sflag:$0x5], $0xC8, $0x38;
	[tilespmem:$0x10E00] =	vst v63  }
.LBB2_2:
0x66: {  	s3 =	sand.u32 $0x1, s31  }
0x67: {  	s1 =	sadd.s32 $0x3, s3  }
0x68: {  	_ =	swait.ge [sflag:s1], $0x4000  }
0x69: {  	[sflag:s1] =	ssyncset.done $0x0  }
0x6a: {  	[sflag:s1] =	ssyncadd.s32 $0xFFFFC000  }
0x6b: {  	_ =	swait.ge [sflag:s1], $0x2400  }
0x6c: {  	[sflag:s1] =	ssyncset.done $0x0  }
0x6d: {  	[sflag:s1] =	ssyncadd.s32 $0xFFFFDC00  }
0x6e: {  	p0 =	sgt.u32 s31, $0x7D;
	_ =	swait.ge [sflag:s1], $0x80  }
.Ltmp4:
0x6f: {  	[sflag:s1] =	ssyncset.done $0x0;
	(pc) =	sbr.rel @p0 .LBB2_4-.Ltmp4, $4  }
0x70: {  	[sflag:s1] =	ssyncadd.s32 $0xFFFFFF80  }
0x71: {  	_ =	swait.ge [sflag:s1], $0x48  }
0x72: {  	[sflag:s1] =	ssyncset.done $0x0  }
0x73: {  	[sflag:s1] =	ssyncadd.s32 $0xFFFFFFB8;
	s1 =	sshll.u32 s3, $0x8  }
.Ltmp5:
0x74: {  	(pc) =	sbr.rel .LBB2_5-.Ltmp5, $3  }
0x75: {  	_ =	sdelay $0x1  }
0x76: {  	s0 =	sadd.s32 $0x4100, s1;
	s4 =	sadd.s32 $0x1, s3;
	s17 =	sadd.s32 s30, s11  }
0x77: {  	[tilespmem:s0], [sflag:s4] =	stream.linear.gather [hbm4b:s17+s6], $0xC8, $0x38;
	[tilespmem:$0x10E00] =	vst v63  }
.LBB2_4:
0x78: {  	p0 =	seq.s32 s30, $0xC67  }
.Ltmp6:
0x79: {  	_ = 	snop;
	(pc) =	sbr.rel @p0 .LBB2_6-.Ltmp6, $1  }
0x7a: {  	_ =	sdelay $0x3  }
.LBB2_5:
0x7b: {  	s0 =	sxor.u32 $0x1, s3  }
0x7c: {  	s3 =	sadd.s32 $0x1, s0  }
0x7d: {  	s4 =	smul.u32 $0x19000, s0;
	_ =	swait.ge [sflag:s3], $0xC8  }
0x7e: {  	[sflag:s3] =	ssyncset.done $0x0  }
0x7f: {  	[sflag:s3] =	ssyncadd.s32 $0xFFFFFF38;
	s3 =	sshrl.u32 s4, $0x2;
	s4 =	sshll.u32 s0, $0x8  }
0x80: {  	s0 =	sadd.s32 $0x3, s0;
	s17 =	sadd.s32 $0x4300, s3;
	s19 =	sadd.s32 $0x4100, s4  }
0x81: {  	[tilespmem:s17], [sflag:s0] =	stream.indirect.gather [hbm4b:s5+s14], $0x80, s19, s14, $0xb8;
	[tilespmem:$0x10E00] =	vst v63  }
0x82: {  	p0 =	seq.s32 s30, $0x0;
	s3 =	sor.u32 $0x8300, s3;
	s17 =	sadd.s32 $0x4180, s4  }
0x83: {  	[tilespmem:s3], [sflag:s0] =	stream.indirect.gather [hbm4b:s5+s20], $0x80, s17, s20, $0xb8;
	[tilespmem:$0x10E00] =	vst v63  }
.Ltmp7:
0x84: {  	_ = 	snop;
	(pc) =	sbr.rel @!p0 .LBB2_6-.Ltmp7, $4  }
.Ltmp8:
0x85: {  	s3 =	sadd.s32 $0x10B00, s4;
	(pc) =	sbr.rel @p0 .LBB2_7-.Ltmp8, $4  }
0x86: {  	[tilespmem:s3], [sflag:s0] =	stream.indirect.gather [hbm4b:s2+s14], $0x1, s19, s14, $0xb8;
	[tilespmem:$0x10E00] =	vst v63  }
0x87: {  	s19 =	sadd.s32 $0x10B80, s4  }
0x88: {  	[tilespmem:s19], [sflag:s0] =	stream.indirect.gather [hbm4b:s2+s20], $0x1, s17, s20, $0xb8;
	[tilespmem:$0x10E00] =	vst v63  }
0x89: {  	_ = 	snop  }
.LBB2_9:
0x8a: {  	_ =	sfence.sel $0x180000  }
0x8b: {  	[bflag:$0x0] =	sbarrier.arrive $0xFFFF  }
0x8c: {  	_ =	strace $0x90000047  }
0x8d: {  	s0 =	stileid.u32;
	[bflag:$0x2] =	sbarrier.arrive $0xFFFF  }
0x8e: {  	p0 =	sne.s32 s0, $0x0;
	s0 =	rddreg [dreg:$0x7]  }
0x8f: {  	s0 =	sadd.s32 @!p0 $0x100000, s0  }
0x90: {  	[sflag:s0] =	ssyncadd.tile.s32 @!p0 $0x1;
	_ =	shalt  }
.Lfunc_end2:
_tile_overlayer_lowered:
.L_overlay_start_2:
0x91: {  	(tag) =	ssettag $0x2  }
0x92: {  	s0 =	rddreg [dreg:$0x0];
	s2 =	stileid.u32  }
0x93: {  	s1 =	rddreg [dreg:$0x1];
	p0 =	sne.s32 s2, $0x0  }
0x94: {  	s3 =	rddreg [dreg:$0x2];
	[bflag:$0x3] =	sbarrier.arrive $0xFFFF;
	s2 =	simm.s32 @!p0 $0x1C07  }
0x95: {  	[timem:s3], [sflag:s2] =	dma.local @!p0 [hbm:s0], s1  }
0x96: {  	s0 =	simm.s32 @!p0 $0x7  }
0x97: {  	_ =	swait.ge @!p0 [sflag:s0], s1  }
0x98: {  	s1 =	ssub.s32 @!p0 $0x0, s1;
	[sflag:s0] =	ssyncset.done @!p0 $0x0  }
0x99: {  	[sflag:s0] =	ssyncadd.s32 @!p0 s1  }
0x9a: {  	[bflag:$0x3] =	sbarrier.arrive $0xFFFF  }
0x9b: {  	_ =	shalt  }

</sc_bundles>
